<compile_context>
chip_gen: v7x
topology: tpu7x:2x2x1
jax: 0.10.2.dev20260603
libtpu: 0.0.44.dev20260713+nightly
codegen_flags: <defaults>
</compile_context>

<pallas_src>
import jax
import jax.numpy as jnp
from jax import lax
from jax.experimental import pallas as pl
from jax.experimental.pallas import tpu as pltpu
from jax.experimental.pallas import tpu_sc as plsc

N = 50000
E = 1600000
T = 16
COUL = 8990000000.0 * 1.602e-19 * 1.602e-19 / 1e-10 / 4.184 / 1000.0 * 6.022e+23

NW = 32
SUB = 1024
SUBS_PER_CHUNK = 10
EP = 1638400
ROWS = EP // SUB
ROWS_PER_W = ROWS // NW
CHUNKS = ROWS_PER_W // SUBS_PER_CHUNK
VPS = SUB // 16
UNROLL = 4
NPAD = 51200
ZW = NPAD // 16


def _compute_sub(rij, mk_v, ij_v, s, eps_v, sig_v, vout):

    def vblock(u, _):
        for w in range(UNROLL):
            lane0 = (u * UNROLL + w) * 16
            rid = lax.iota(jnp.int32, 16) + lane0
            rjd = rid + SUB

            def comp(rowid, col):
                return plsc.load_gather(
                    rij, [rowid, jnp.full((16,), col, jnp.int32)])

            xi, yi, zi = comp(rid, 0), comp(rid, 1), comp(rid, 2)
            xj, yj, zj = comp(rjd, 0), comp(rjd, 1), comp(rjd, 2)
            qi, qj = comp(rid, 3), comp(rjd, 3)
            ti = lax.convert_element_type(comp(rid, 4), jnp.int32)
            tj = lax.convert_element_type(comp(rjd, 4), jnp.int32)

            dx = xj - xi
            dy = yj - yi
            dz = zj - zi
            d2 = dx * dx + dy * dy + dz * dz + 1e-6

            bits = plsc.bitcast(d2, jnp.int32)
            y = plsc.bitcast(
                0x5F3759DF - lax.shift_right_logical(bits, 1), jnp.float32)
            h = 0.5 * d2
            for _ in range(3):
                y = y * (1.5 - h * y * y)

            code = ti * T + tj
            eps_ij = plsc.load_gather(eps_v, [code])
            sig_ij = plsc.load_gather(sig_v, [code])

            inv_d2 = y * y
            s2 = sig_ij * sig_ij * inv_d2
            sr6 = s2 * s2 * s2
            e_lj = 4.0 * eps_ij * (sr6 * sr6 - sr6)
            e_coul = COUL * qi * qj * y
            mk = mk_v[s, pl.ds(lane0, 16)]
            val = (0.5 * mk) * (e_lj + e_coul)
            idx_i = ij_v[s, pl.ds(lane0, 16)]
            idx_j = ij_v[s, pl.ds(SUB + lane0, 16)]
            plsc.addupdate_scatter(vout, [idx_i], val)
            plsc.addupdate_scatter(vout, [idx_j], val)
        return 0

    lax.fori_loop(0, VPS // UNROLL, vblock, 0)


def _sc_body(tbl, ij2, m2, eps_t, sig_t, idx_lin, out,
             ij_v, mk_v, rij_a, rij_b, accv,
             eps_v, sig_v, lin_v, acc, semg):
    cid = lax.axis_index("c")
    sid = lax.axis_index("s")
    wid = cid * 16 + sid

    pltpu.sync_copy(eps_t, eps_v)
    pltpu.sync_copy(sig_t, sig_v)

    zeros16 = jnp.zeros((16,), jnp.float32)

    def zset(v, _):
        accv[pl.ds(v * 16, 16)] = zeros16
        return 0

    lax.fori_loop(0, NPAD // 16, zset, 0)
    pltpu.sync_copy(accv.at[pl.ds(0, ZW)], acc.at[pl.ds(sid * ZW, ZW)])
    plsc.subcore_barrier()

    rbase = wid * ROWS_PER_W

    def chunk_body(g, _):
        r0 = rbase + g * SUBS_PER_CHUNK
        pltpu.sync_copy(ij2.at[pl.ds(r0, SUBS_PER_CHUNK)], ij_v)
        pltpu.sync_copy(m2.at[pl.ds(r0, SUBS_PER_CHUNK)], mk_v)

        def pair_body(p, _):
            s_a = 2 * p
            s_b = 2 * p + 1
            g_a = pltpu.async_copy(tbl.at[ij_v.at[s_a]], rij_a, semg)
            g_b = pltpu.async_copy(tbl.at[ij_v.at[s_b]], rij_b, semg)

            g_a.wait()
            _compute_sub(rij_a, mk_v, ij_v, s_a, eps_v, sig_v, accv)

            g_b.wait()
            _compute_sub(rij_b, mk_v, ij_v, s_b, eps_v, sig_v, accv)
            return 0

        lax.fori_loop(0, SUBS_PER_CHUNK // 2, pair_body, 0)
        return 0

    lax.fori_loop(0, CHUNKS, chunk_body, 0)

    def merge_body(c, _):
        off = c * (2 * SUB)
        pltpu.sync_copy(idx_lin.at[pl.ds(off, 2 * SUB)], lin_v)
        pltpu.sync_copy(accv.at[pl.ds(off, 2 * SUB)],
                        acc.at[lin_v], add=True)
        return 0

    lax.fori_loop(0, NPAD // (2 * SUB), merge_body, 0)

    plsc.subcore_barrier()
    pltpu.sync_copy(acc.at[pl.ds(sid * ZW, ZW)], out.at[cid, pl.ds(sid * ZW, ZW)])


@jax.jit
def _sc_call(tbl, ij2, m2, eps_t, sig_t, idx_lin):
    mesh = plsc.VectorSubcoreMesh(core_axis_name="c", subcore_axis_name="s")
    return pl.kernel(
        _sc_body,
        out_type=jax.ShapeDtypeStruct((2, NPAD), jnp.float32),
        mesh=mesh,
        compiler_params=pltpu.CompilerParams(
            needs_layout_passes=False, use_tc_tiling_on_sc=False),
        scratch_types=[
            pltpu.VMEM((SUBS_PER_CHUNK, 2 * SUB), jnp.int32),
            pltpu.VMEM((SUBS_PER_CHUNK, SUB), jnp.float32),
            pltpu.VMEM((2 * SUB, 8), jnp.float32),
            pltpu.VMEM((2 * SUB, 8), jnp.float32),
            pltpu.VMEM((NPAD,), jnp.float32),
            pltpu.VMEM((T * T,), jnp.float32),
            pltpu.VMEM((T * T,), jnp.float32),
            pltpu.VMEM((2 * SUB,), jnp.int32),
            pltpu.VMEM_SHARED((NPAD,), jnp.float32),
            pltpu.SemaphoreType.DMA,
        ],
    )(tbl, ij2, m2, eps_t, sig_t, idx_lin)


def _tc_sum_body(a_ref, o_ref):
    o_ref[...] = a_ref[0] + a_ref[1]


@jax.jit
def _tc_sum(parts):
    return pl.pallas_call(
        _tc_sum_body,
        out_shape=jax.ShapeDtypeStruct((NPAD // 128, 128), jnp.float32),
    )(parts)


def kernel(pos, atom_charge, epsilon, sigma, sb_mask_e, edge_index, atom_type):
    ei = edge_index.astype(jnp.int32)
    pad = EP - E
    i_p = jnp.concatenate([ei[0], jnp.zeros((pad,), jnp.int32)])
    j_p = jnp.concatenate([ei[1], jnp.ones((pad,), jnp.int32)])
    m_p = jnp.concatenate([sb_mask_e.astype(jnp.float32),
                           jnp.zeros((pad,), jnp.float32)])
    ij2 = jnp.stack([i_p.reshape(ROWS, SUB), j_p.reshape(ROWS, SUB)],
                    axis=1).reshape(ROWS, 2 * SUB)
    m2 = m_p.reshape(ROWS, SUB)

    tflt = atom_type.astype(jnp.int32).astype(jnp.float32)
    tbl = jnp.concatenate(
        [pos.astype(jnp.float32),
         atom_charge.astype(jnp.float32)[:, None],
         tflt[:, None],
         jnp.zeros((N, 3), jnp.float32)], axis=1)

    eps_t = epsilon.astype(jnp.float32).reshape(T * T)
    sig_t = sigma.astype(jnp.float32).reshape(T * T)

    idx_lin = jnp.arange(NPAD, dtype=jnp.int32)
    parts = _sc_call(tbl, ij2, m2, eps_t, sig_t, idx_lin)
    return _tc_sum(parts.reshape(2, NPAD // 128, 128)).reshape(NPAD)[:N]

# --- scband reference (transcript-rebuilt; emitter-appended) ---
"""Pipeline reference for scband-potential-model-43284680409718 (READ-ONLY COPY).

The authoritative reference and input builder live on the scoring server;
editing this copy changes nothing except your own understanding.
"""

import jax, jax.numpy as jnp
import numpy as np

N = 50000
E = 1600000
T = 16
COULOMB_COEFF = 8990000000.0 * 1.602e-19 * 1.602e-19 / 1e-10 / 4.184 / 1000.0 * 6.022e+23


def setup_inputs(seed: int = 0) -> dict:
    key = jax.random.key(seed)
    ks = jax.random.split(key, 8)
    pos = jax.random.normal(ks[0], (N, 3), dtype=jnp.float32) * 10.0
    atom_charge = jax.random.normal(ks[1], (N,), dtype=jnp.float32) * 0.1
    eps = jax.random.uniform(ks[2], (T, T), dtype=jnp.float32, minval=0.01, maxval=0.5)
    epsilon = 0.5 * (eps + eps.T)  # symmetric mixing like sqrt(eps_i*eps_j) table
    sig = jax.random.uniform(ks[3], (T, T), dtype=jnp.float32, minval=1.0, maxval=3.0)
    sigma = 0.5 * (sig + sig.T)
    sb_mask_e = (jax.random.uniform(ks[4], (E,)) > 0.1).astype(jnp.float32)
    edge_index = jax.random.randint(ks[5], (2, E), 0, N, dtype=jnp.int64)
    atom_type = jax.random.randint(ks[6], (N,), 0, T, dtype=jnp.int64)
    return {
        "pos": pos,
        "atom_charge": atom_charge,
        "epsilon": epsilon,
        "sigma": sigma,
        "sb_mask_e": sb_mask_e,
        "edge_index": edge_index,
        "atom_type": atom_type,
    }


def reference(pos, atom_charge, epsilon, sigma, sb_mask_e, edge_index, atom_type):
    # Nonbonded pair potential (Lennard-Jones + Coulomb) evaluated over a
    # pair/edge list with special-bond mask, scatter-added to per-atom energies.
    i = edge_index[0]
    j = edge_index[1]
    rij = pos[j] - pos[i]                      # gather
    d2 = jnp.sum(rij * rij, axis=-1) + 1e-6
    d = jnp.sqrt(d2)
    ti = atom_type[i]                          # gather
    tj = atom_type[j]
    eps_ij = epsilon[ti, tj]                   # 2D table gather
    sig_ij = sigma[ti, tj]
    sr6 = (sig_ij * sig_ij / d2) ** 3
    e_lj = 4.0 * eps_ij * (sr6 * sr6 - sr6)
    qi = atom_charge[i]                        # gather
    qj = atom_charge[j]
    e_coul = COULOMB_COEFF * qi * qj / d
    e_edge = sb_mask_e * (e_lj + e_coul)
    # scatter-add half the pair energy to each endpoint (message passing aggregate)
    per_atom = jnp.zeros((pos.shape[0],), dtype=pos.dtype)
    per_atom = per_atom.at[i].add(0.5 * e_edge)
    per_atom = per_atom.at[j].add(0.5 * e_edge)
    return per_atom

if __name__ == "__main__":
    import jax
    _d = setup_inputs()
    print(jax.jit(kernel)(*tuple(_d.values())))

</pallas_src>

<mosaic_0001>
#map = affine_map<(d0, d1) -> (0, 0)>
#map1 = affine_map<(d0, d1) -> (0)>
module attributes {stable_mosaic.version = 14 : i64} {
  func.func @_sc_body(%arg0: i32, %arg1: i32, %arg2: memref<50000x8xf32, #tpu.memory_space<hbm>>, %arg3: memref<1600x2048xi32, #tpu.memory_space<hbm>>, %arg4: memref<1600x1024xf32, #tpu.memory_space<hbm>>, %arg5: memref<256xf32, #tpu.memory_space<hbm>>, %arg6: memref<256xf32, #tpu.memory_space<hbm>>, %arg7: memref<51200xi32, #tpu.memory_space<hbm>>, %arg8: memref<2x51200xf32, #tpu.memory_space<hbm>>, %arg9: memref<10x2048xi32, #tpu.memory_space<vmem>>, %arg10: memref<10x1024xf32, #tpu.memory_space<vmem>>, %arg11: memref<2048x8xf32, #tpu.memory_space<vmem>>, %arg12: memref<2048x8xf32, #tpu.memory_space<vmem>>, %arg13: memref<51200xf32, #tpu.memory_space<vmem>>, %arg14: memref<256xf32, #tpu.memory_space<vmem>>, %arg15: memref<256xf32, #tpu.memory_space<vmem>>, %arg16: memref<2048xi32, #tpu.memory_space<vmem>>, %arg17: memref<51200xf32, #tpu.memory_space<vmem_shared>>, %arg18: memref<!tpu.dma_semaphore, #tpu.memory_space<semaphore_mem>>) attributes {dimension_semantics = [#tpu.dimension_semantics<core_parallel>, #tpu.dimension_semantics<subcore_parallel>], iteration_bounds = array<i64: 2, 16>, scalar_prefetch = 0 : i64, scratch_operands = 10 : i64, tpu.core_type = #tpu.core_type<sc_vector_subcore>, window_params = [{transform_indices = #map}, {transform_indices = #map}, {transform_indices = #map}, {transform_indices = #map1}, {transform_indices = #map1}, {transform_indices = #map1}, {transform_indices = #map}]} {
    %mul3A = arith.constant 16 : i32
    %mul3A_0 = arith.muli %arg0, %mul3A : i32
    %add3A = arith.addi %mul3A_0, %arg1 : i32
    "tpu.region"() ({
      %run_scoped3A = tpu.sem_alloc : memref<!tpu.dma_semaphore, #tpu.memory_space<semaphore_mem>>
      tpu.enqueue_dma source(%arg5 : memref<256xf32, #tpu.memory_space<hbm>>) target(%arg14 : memref<256xf32, #tpu.memory_space<vmem>>) target_semaphore(%run_scoped3A : memref<!tpu.dma_semaphore, #tpu.memory_space<semaphore_mem>>)
      tpu.wait_dma2 semaphore(%run_scoped3A : memref<!tpu.dma_semaphore, #tpu.memory_space<semaphore_mem>>) src(%arg5 : memref<256xf32, #tpu.memory_space<hbm>>) dst(%arg14 : memref<256xf32, #tpu.memory_space<vmem>>)
      tpu.yield
    }) : () -> ()
    "tpu.region"() ({
      %run_scoped3A = tpu.sem_alloc : memref<!tpu.dma_semaphore, #tpu.memory_space<semaphore_mem>>
      tpu.enqueue_dma source(%arg6 : memref<256xf32, #tpu.memory_space<hbm>>) target(%arg15 : memref<256xf32, #tpu.memory_space<vmem>>) target_semaphore(%run_scoped3A : memref<!tpu.dma_semaphore, #tpu.memory_space<semaphore_mem>>)
      tpu.wait_dma2 semaphore(%run_scoped3A : memref<!tpu.dma_semaphore, #tpu.memory_space<semaphore_mem>>) src(%arg6 : memref<256xf32, #tpu.memory_space<hbm>>) dst(%arg15 : memref<256xf32, #tpu.memory_space<vmem>>)
      tpu.yield
    }) : () -> ()
    %broadcast_in_dim3A = arith.constant 0.000000e+00 : f32
    %broadcast_in_dim3A_1 = vector.broadcast %broadcast_in_dim3A : f32 to vector<16xf32>
    %scan3A = arith.constant 0 : i32
    %scan3A_2 = arith.constant 0 : i32
    %scan3A_3 = arith.constant 3200 : i32
    %scan3A_4 = arith.addi %scan3A_2, %scan3A_3 : i32
    %scan3A_5 = arith.constant 1 : i32
    %scan3A_6 = scf.for %scan3A_31 = %scan3A_2 to %scan3A_4 step %scan3A_5 iter_args(%scan3A_32 = %scan3A) -> (i32)  : i32 {
      %mul3A_33 = arith.constant 16 : i32
      %mul3A_34 = arith.muli %scan3A_31, %mul3A_33 : i32
      %swap3A = arith.index_cast %mul3A_34 : i32 to index
      %swap3A_35 = tpu.vector_load %arg13[%swap3A] {strides = array<i32>} : memref<51200xf32, #tpu.memory_space<vmem>>, vector<16xf32>,
      tpu.vector_store %arg13[%swap3A], %broadcast_in_dim3A_1 {strides = array<i32>} : memref<51200xf32, #tpu.memory_space<vmem>>, vector<16xf32>,
      %scan3A_36 = arith.constant 0 : i32
      scf.yield %scan3A_36 : i32
    }
    %scan3A_7 = arith.constant 3200 : i32
    %mul3A_8 = arith.constant 3200 : i32
    %mul3A_9 = arith.muli %arg1, %mul3A_8 : i32
    "tpu.region"() ({
      %run_scoped3A = tpu.sem_alloc : memref<!tpu.dma_semaphore, #tpu.memory_space<semaphore_mem>>
      %dma_start3A = arith.constant 0 : i32
      %dma_start3A_31 = tpu.memref_slice %arg13[%dma_start3A] : memref<51200xf32, #tpu.memory_space<vmem>> -> memref<3200xf32, #tpu.memory_space<vmem>>
      %dma_start3A_32 = tpu.memref_slice %arg17[%mul3A_9] : memref<51200xf32, #tpu.memory_space<vmem_shared>> -> memref<3200xf32, #tpu.memory_space<vmem_shared>>
      %dma_start3A_33 = tpu.memref_slice %arg17[%mul3A_9] : memref<51200xf32, #tpu.memory_space<vmem_shared>> -> memref<3200xf32, #tpu.memory_space<vmem_shared>>
      %dma_start3A_34 = arith.constant 0 : i32
      %dma_start3A_35 = tpu.memref_slice %arg13[%dma_start3A_34] : memref<51200xf32, #tpu.memory_space<vmem>> -> memref<3200xf32, #tpu.memory_space<vmem>>
      tpu.enqueue_dma source(%dma_start3A_35 : memref<3200xf32, #tpu.memory_space<vmem>>) target(%dma_start3A_33 : memref<3200xf32, #tpu.memory_space<vmem_shared>>) target_semaphore(%run_scoped3A : memref<!tpu.dma_semaphore, #tpu.memory_space<semaphore_mem>>)
      %dma_wait3A = arith.constant 0 : i32
      %dma_wait3A_36 = tpu.memref_slice %arg13[%dma_wait3A] : memref<51200xf32, #tpu.memory_space<vmem>> -> memref<3200xf32, #tpu.memory_space<vmem>>
      %dma_wait3A_37 = tpu.memref_slice %arg17[%mul3A_9] : memref<51200xf32, #tpu.memory_space<vmem_shared>> -> memref<3200xf32, #tpu.memory_space<vmem_shared>>
      %dma_wait3A_38 = tpu.memref_slice %arg17[%mul3A_9] : memref<51200xf32, #tpu.memory_space<vmem_shared>> -> memref<3200xf32, #tpu.memory_space<vmem_shared>>
      %dma_wait3A_39 = arith.constant 0 : i32
      %dma_wait3A_40 = tpu.memref_slice %arg13[%dma_wait3A_39] : memref<51200xf32, #tpu.memory_space<vmem>> -> memref<3200xf32, #tpu.memory_space<vmem>>
      tpu.wait_dma2 semaphore(%run_scoped3A : memref<!tpu.dma_semaphore, #tpu.memory_space<semaphore_mem>>) src(%dma_wait3A_40 : memref<3200xf32, #tpu.memory_space<vmem>>) dst(%dma_wait3A_38 : memref<3200xf32, #tpu.memory_space<vmem_shared>>)
      tpu.yield
    }) : () -> ()
    %barrier3A = arith.constant 0 : index
    tpu.barrier barrier_id(%barrier3A)
    %mul3A_10 = arith.constant 50 : i32
    %mul3A_11 = arith.muli %add3A, %mul3A_10 : i32
    %scan3A_12 = arith.constant 0 : i32
    %scan3A_13 = arith.constant 0 : i32
    %scan3A_14 = arith.constant 5 : i32
    %scan3A_15 = arith.addi %scan3A_13, %scan3A_14 : i32
    %scan3A_16 = arith.constant 1 : i32
    %scan3A_17 = scf.for %scan3A_31 = %scan3A_13 to %scan3A_15 step %scan3A_16 iter_args(%scan3A_32 = %scan3A_12) -> (i32)  : i32 {
      %mul3A_33 = arith.constant 10 : i32
      %mul3A_34 = arith.muli %scan3A_31, %mul3A_33 : i32
      %add3A_35 = arith.addi %mul3A_11, %mul3A_34 : i32
      "tpu.region"() ({
        %run_scoped3A = tpu.sem_alloc : memref<!tpu.dma_semaphore, #tpu.memory_space<semaphore_mem>>
        %dma_start3A = arith.constant 0 : i32
        %dma_start3A_44 = tpu.memref_slice %arg3[%add3A_35, %dma_start3A] : memref<1600x2048xi32, #tpu.memory_space<hbm>> -> memref<10x2048xi32, #tpu.memory_space<hbm>>
        %dma_start3A_45 = arith.constant 0 : i32
        %dma_start3A_46 = tpu.memref_slice %arg3[%add3A_35, %dma_start3A_45] : memref<1600x2048xi32, #tpu.memory_space<hbm>> -> memref<10x2048xi32, #tpu.memory_space<hbm>>
        tpu.enqueue_dma source(%dma_start3A_46 : memref<10x2048xi32, #tpu.memory_space<hbm>>) target(%arg9 : memref<10x2048xi32, #tpu.memory_space<vmem>>) target_semaphore(%run_scoped3A : memref<!tpu.dma_semaphore, #tpu.memory_space<semaphore_mem>>)
        %dma_wait3A = arith.constant 0 : i32
        %dma_wait3A_47 = tpu.memref_slice %arg3[%add3A_35, %dma_wait3A] : memref<1600x2048xi32, #tpu.memory_space<hbm>> -> memref<10x2048xi32, #tpu.memory_space<hbm>>
        %dma_wait3A_48 = arith.constant 0 : i32
        %dma_wait3A_49 = tpu.memref_slice %arg3[%add3A_35, %dma_wait3A_48] : memref<1600x2048xi32, #tpu.memory_space<hbm>> -> memref<10x2048xi32, #tpu.memory_space<hbm>>
        tpu.wait_dma2 semaphore(%run_scoped3A : memref<!tpu.dma_semaphore, #tpu.memory_space<semaphore_mem>>) src(%dma_wait3A_49 : memref<10x2048xi32, #tpu.memory_space<hbm>>) dst(%arg9 : memref<10x2048xi32, #tpu.memory_space<vmem>>)
        tpu.yield
      }) : () -> ()
      "tpu.region"() ({
        %run_scoped3A = tpu.sem_alloc : memref<!tpu.dma_semaphore, #tpu.memory_space<semaphore_mem>>
        %dma_start3A = arith.constant 0 : i32
        %dma_start3A_44 = tpu.memref_slice %arg4[%add3A_35, %dma_start3A] : memref<1600x1024xf32, #tpu.memory_space<hbm>> -> memref<10x1024xf32, #tpu.memory_space<hbm>>
        %dma_start3A_45 = arith.constant 0 : i32
        %dma_start3A_46 = tpu.memref_slice %arg4[%add3A_35, %dma_start3A_45] : memref<1600x1024xf32, #tpu.memory_space<hbm>> -> memref<10x1024xf32, #tpu.memory_space<hbm>>
        tpu.enqueue_dma source(%dma_start3A_46 : memref<10x1024xf32, #tpu.memory_space<hbm>>) target(%arg10 : memref<10x1024xf32, #tpu.memory_space<vmem>>) target_semaphore(%run_scoped3A : memref<!tpu.dma_semaphore, #tpu.memory_space<semaphore_mem>>)
        %dma_wait3A = arith.constant 0 : i32
        %dma_wait3A_47 = tpu.memref_slice %arg4[%add3A_35, %dma_wait3A] : memref<1600x1024xf32, #tpu.memory_space<hbm>> -> memref<10x1024xf32, #tpu.memory_space<hbm>>
        %dma_wait3A_48 = arith.constant 0 : i32
        %dma_wait3A_49 = tpu.memref_slice %arg4[%add3A_35, %dma_wait3A_48] : memref<1600x1024xf32, #tpu.memory_space<hbm>> -> memref<10x1024xf32, #tpu.memory_space<hbm>>
        tpu.wait_dma2 semaphore(%run_scoped3A : memref<!tpu.dma_semaphore, #tpu.memory_space<semaphore_mem>>) src(%dma_wait3A_49 : memref<10x1024xf32, #tpu.memory_space<hbm>>) dst(%arg10 : memref<10x1024xf32, #tpu.memory_space<vmem>>)
        tpu.yield
      }) : () -> ()
      %scan3A_36 = arith.constant 0 : i32
      %scan3A_37 = arith.constant 0 : i32
      %scan3A_38 = arith.constant 5 : i32
      %scan3A_39 = arith.addi %scan3A_37, %scan3A_38 : i32
      %scan3A_40 = arith.constant 1 : i32
      %scan3A_41 = scf.for %scan3A_44 = %scan3A_37 to %scan3A_39 step %scan3A_40 iter_args(%scan3A_45 = %scan3A_36) -> (i32)  : i32 {
        %mul3A_46 = arith.constant 2 : i32
        %mul3A_47 = arith.muli %mul3A_46, %scan3A_44 : i32
        %mul3A_48 = arith.constant 2 : i32
        %mul3A_49 = arith.muli %mul3A_48, %scan3A_44 : i32
        %add3A_50 = arith.constant 1 : i32
        %add3A_51 = arith.addi %mul3A_49, %add3A_50 : i32
        %dma_start3A = arith.constant 0 : i32
        %dma_start3A_52 = tpu.memref_slice %arg9[%mul3A_47, %dma_start3A] : memref<10x2048xi32, #tpu.memory_space<vmem>> -> memref<1x2048xi32, #tpu.memory_space<vmem>>
        %dma_start3A_53 = tpu.memref_squeeze %dma_start3A_52 : memref<1x2048xi32, #tpu.memory_space<vmem>> -> memref<2048xi32, #tpu.memory_space<vmem>>
        %dma_start3A_54 = arith.constant 0 : i32
        %dma_start3A_55 = arith.constant 0 : i32
        %dma_start3A_56 = tpu.memref_slice %arg2[%dma_start3A_54, %dma_start3A_55] : memref<50000x8xf32, #tpu.memory_space<hbm>> -> memref<50000x8xf32, #tpu.memory_space<hbm>>
        tpu.enqueue_indirect_dma source(%dma_start3A_56 : memref<50000x8xf32, #tpu.memory_space<hbm>>) target(%arg11 : memref<2048x8xf32, #tpu.memory_space<vmem>>) offsets(%dma_start3A_53 : memref<2048xi32, #tpu.memory_space<vmem>>) semaphore(%arg18 : memref<!tpu.dma_semaphore, #tpu.memory_space<semaphore_mem>>)
        %dma_start3A_57 = arith.constant 0 : i32
        %dma_start3A_58 = tpu.memref_slice %arg9[%add3A_51, %dma_start3A_57] : memref<10x2048xi32, #tpu.memory_space<vmem>> -> memref<1x2048xi32, #tpu.memory_space<vmem>>
        %dma_start3A_59 = tpu.memref_squeeze %dma_start3A_58 : memref<1x2048xi32, #tpu.memory_space<vmem>> -> memref<2048xi32, #tpu.memory_space<vmem>>
        %dma_start3A_60 = arith.constant 0 : i32
        %dma_start3A_61 = arith.constant 0 : i32
        %dma_start3A_62 = tpu.memref_slice %arg2[%dma_start3A_60, %dma_start3A_61] : memref<50000x8xf32, #tpu.memory_space<hbm>> -> memref<50000x8xf32, #tpu.memory_space<hbm>>
        tpu.enqueue_indirect_dma source(%dma_start3A_62 : memref<50000x8xf32, #tpu.memory_space<hbm>>) target(%arg12 : memref<2048x8xf32, #tpu.memory_space<vmem>>) offsets(%dma_start3A_59 : memref<2048xi32, #tpu.memory_space<vmem>>) semaphore(%arg18 : memref<!tpu.dma_semaphore, #tpu.memory_space<semaphore_mem>>)
        %dma_wait3A = arith.constant 0 : i32
        %dma_wait3A_63 = tpu.memref_slice %arg9[%mul3A_47, %dma_wait3A] : memref<10x2048xi32, #tpu.memory_space<vmem>> -> memref<1x2048xi32, #tpu.memory_space<vmem>>
        %dma_wait3A_64 = tpu.memref_squeeze %dma_wait3A_63 : memref<1x2048xi32, #tpu.memory_space<vmem>> -> memref<2048xi32, #tpu.memory_space<vmem>>
        %dma_wait3A_65 = arith.constant 0 : i32
        %dma_wait3A_66 = arith.constant 0 : i32
        %dma_wait3A_67 = tpu.memref_slice %arg2[%dma_wait3A_65, %dma_wait3A_66] : memref<50000x8xf32, #tpu.memory_space<hbm>> -> memref<50000x8xf32, #tpu.memory_space<hbm>>
        tpu.wait_indirect_dma semaphore(%arg18 : memref<!tpu.dma_semaphore, #tpu.memory_space<semaphore_mem>>) src(%dma_wait3A_67 : memref<50000x8xf32, #tpu.memory_space<hbm>>) dst(%arg11 : memref<2048x8xf32, #tpu.memory_space<vmem>>)
        %scan3A_68 = arith.constant 0 : i32
        %scan3A_69 = arith.constant 0 : i32
        %scan3A_70 = arith.constant 16 : i32
        %scan3A_71 = arith.addi %scan3A_69, %scan3A_70 : i32
        %scan3A_72 = arith.constant 1 : i32
        %scan3A_73 = scf.for %scan3A_89 = %scan3A_69 to %scan3A_71 step %scan3A_72 iter_args(%scan3A_90 = %scan3A_68) -> (i32)  : i32 {
          %mul3A_91 = arith.constant 4 : i32
          %mul3A_92 = arith.muli %scan3A_89, %mul3A_91 : i32
          %add3A_93 = arith.constant 0 : i32
          %add3A_94 = arith.addi %mul3A_92, %add3A_93 : i32
          %mul3A_95 = arith.constant 16 : i32
          %mul3A_96 = arith.muli %add3A_94, %mul3A_95 : i32
          %iota3A = tpu.iota {dimensions = array<i32: 0>} : vector<16xi32>
          %add3A_97 = vector.broadcast %mul3A_96 : i32 to vector<16xi32>
          %add3A_98 = arith.addi %iota3A, %add3A_97 : vector<16xi32>
          %add3A_99 = arith.constant 1024 : i32
          %add3A_100 = vector.broadcast %add3A_99 : i32 to vector<16xi32>
          %add3A_101 = arith.addi %add3A_98, %add3A_100 : vector<16xi32>
          %broadcast_in_dim3A_102 = arith.constant 0 : i32
          %broadcast_in_dim3A_103 = vector.broadcast %broadcast_in_dim3A_102 : i32 to vector<16xi32>
          %gather3A = tpu.vector_load_idx %arg11[%add3A_98, %broadcast_in_dim3A_103] : memref<2048x8xf32, #tpu.memory_space<vmem>>[vector<16xi32>, vector<16xi32>], vector<16xf32>,
          %broadcast_in_dim3A_104 = arith.constant 1 : i32
          %broadcast_in_dim3A_105 = vector.broadcast %broadcast_in_dim3A_104 : i32 to vector<16xi32>
          %gather3A_106 = tpu.vector_load_idx %arg11[%add3A_98, %broadcast_in_dim3A_105] : memref<2048x8xf32, #tpu.memory_space<vmem>>[vector<16xi32>, vector<16xi32>], vector<16xf32>,
          %broadcast_in_dim3A_107 = arith.constant 2 : i32
          %broadcast_in_dim3A_108 = vector.broadcast %broadcast_in_dim3A_107 : i32 to vector<16xi32>
          %gather3A_109 = tpu.vector_load_idx %arg11[%add3A_98, %broadcast_in_dim3A_108] : memref<2048x8xf32, #tpu.memory_space<vmem>>[vector<16xi32>, vector<16xi32>], vector<16xf32>,
          %broadcast_in_dim3A_110 = arith.constant 0 : i32
          %broadcast_in_dim3A_111 = vector.broadcast %broadcast_in_dim3A_110 : i32 to vector<16xi32>
          %gather3A_112 = tpu.vector_load_idx %arg11[%add3A_101, %broadcast_in_dim3A_111] : memref<2048x8xf32, #tpu.memory_space<vmem>>[vector<16xi32>, vector<16xi32>], vector<16xf32>,
          %broadcast_in_dim3A_113 = arith.constant 1 : i32
          %broadcast_in_dim3A_114 = vector.broadcast %broadcast_in_dim3A_113 : i32 to vector<16xi32>
          %gather3A_115 = tpu.vector_load_idx %arg11[%add3A_101, %broadcast_in_dim3A_114] : memref<2048x8xf32, #tpu.memory_space<vmem>>[vector<16xi32>, vector<16xi32>], vector<16xf32>,
          %broadcast_in_dim3A_116 = arith.constant 2 : i32
          %broadcast_in_dim3A_117 = vector.broadcast %broadcast_in_dim3A_116 : i32 to vector<16xi32>
          %gather3A_118 = tpu.vector_load_idx %arg11[%add3A_101, %broadcast_in_dim3A_117] : memref<2048x8xf32, #tpu.memory_space<vmem>>[vector<16xi32>, vector<16xi32>], vector<16xf32>,
          %broadcast_in_dim3A_119 = arith.constant 3 : i32
          %broadcast_in_dim3A_120 = vector.broadcast %broadcast_in_dim3A_119 : i32 to vector<16xi32>
          %gather3A_121 = tpu.vector_load_idx %arg11[%add3A_98, %broadcast_in_dim3A_120] : memref<2048x8xf32, #tpu.memory_space<vmem>>[vector<16xi32>, vector<16xi32>], vector<16xf32>,
          %broadcast_in_dim3A_122 = arith.constant 3 : i32
          %broadcast_in_dim3A_123 = vector.broadcast %broadcast_in_dim3A_122 : i32 to vector<16xi32>
          %gather3A_124 = tpu.vector_load_idx %arg11[%add3A_101, %broadcast_in_dim3A_123] : memref<2048x8xf32, #tpu.memory_space<vmem>>[vector<16xi32>, vector<16xi32>], vector<16xf32>,
          %broadcast_in_dim3A_125 = arith.constant 4 : i32
          %broadcast_in_dim3A_126 = vector.broadcast %broadcast_in_dim3A_125 : i32 to vector<16xi32>
          %gather3A_127 = tpu.vector_load_idx %arg11[%add3A_98, %broadcast_in_dim3A_126] : memref<2048x8xf32, #tpu.memory_space<vmem>>[vector<16xi32>, vector<16xi32>], vector<16xf32>,
          %convert_element_type3A = arith.fptosi %gather3A_127 : vector<16xf32> to vector<16xi32>
          %broadcast_in_dim3A_128 = arith.constant 4 : i32
          %broadcast_in_dim3A_129 = vector.broadcast %broadcast_in_dim3A_128 : i32 to vector<16xi32>
          %gather3A_130 = tpu.vector_load_idx %arg11[%add3A_101, %broadcast_in_dim3A_129] : memref<2048x8xf32, #tpu.memory_space<vmem>>[vector<16xi32>, vector<16xi32>], vector<16xf32>,
          %convert_element_type3A_131 = arith.fptosi %gather3A_130 : vector<16xf32> to vector<16xi32>
          %sub3A = arith.subf %gather3A_112, %gather3A : vector<16xf32>
          %sub3A_132 = arith.subf %gather3A_115, %gather3A_106 : vector<16xf32>
          %sub3A_133 = arith.subf %gather3A_118, %gather3A_109 : vector<16xf32>
          %mul3A_134 = arith.mulf %sub3A, %sub3A : vector<16xf32>
          %mul3A_135 = arith.mulf %sub3A_132, %sub3A_132 : vector<16xf32>
          %add3A_136 = arith.addf %mul3A_134, %mul3A_135 : vector<16xf32>
          %mul3A_137 = arith.mulf %sub3A_133, %sub3A_133 : vector<16xf32>
          %add3A_138 = arith.addf %add3A_136, %mul3A_137 : vector<16xf32>
          %add3A_139 = arith.constant 9.99999997E-7 : f32
          %add3A_140 = vector.broadcast %add3A_139 : f32 to vector<16xf32>
          %add3A_141 = arith.addf %add3A_138, %add3A_140 : vector<16xf32>
          %bitcast3A = vector.bitcast %add3A_141 : vector<16xf32> to vector<16xi32>
          %shift_right_logical3A = arith.constant 1 : i32
          %shift_right_logical3A_142 = vector.broadcast %shift_right_logical3A : i32 to vector<16xi32>
          %shift_right_logical3A_143 = arith.shrui %bitcast3A, %shift_right_logical3A_142 : vector<16xi32>
          %sub3A_144 = arith.constant 1597463007 : i32
          %sub3A_145 = vector.broadcast %sub3A_144 : i32 to vector<16xi32>
          %sub3A_146 = arith.subi %sub3A_145, %shift_right_logical3A_143 : vector<16xi32>
          %bitcast3A_147 = vector.bitcast %sub3A_146 : vector<16xi32> to vector<16xf32>
          %mul3A_148 = arith.constant 5.000000e-01 : f32
          %mul3A_149 = vector.broadcast %mul3A_148 : f32 to vector<16xf32>
          %mul3A_150 = arith.mulf %mul3A_149, %add3A_141 : vector<16xf32>
          %mul3A_151 = arith.mulf %mul3A_150, %bitcast3A_147 : vector<16xf32>
          %mul3A_152 = arith.mulf %mul3A_151, %bitcast3A_147 : vector<16xf32>
          %sub3A_153 = arith.constant 1.500000e+00 : f32
          %sub3A_154 = vector.broadcast %sub3A_153 : f32 to vector<16xf32>
          %sub3A_155 = arith.subf %sub3A_154, %mul3A_152 : vector<16xf32>
          %mul3A_156 = arith.mulf %bitcast3A_147, %sub3A_155 : vector<16xf32>
          %mul3A_157 = arith.mulf %mul3A_150, %mul3A_156 : vector<16xf32>
          %mul3A_158 = arith.mulf %mul3A_157, %mul3A_156 : vector<16xf32>
          %sub3A_159 = arith.constant 1.500000e+00 : f32
          %sub3A_160 = vector.broadcast %sub3A_159 : f32 to vector<16xf32>
          %sub3A_161 = arith.subf %sub3A_160, %mul3A_158 : vector<16xf32>
          %mul3A_162 = arith.mulf %mul3A_156, %sub3A_161 : vector<16xf32>
          %mul3A_163 = arith.mulf %mul3A_150, %mul3A_162 : vector<16xf32>
          %mul3A_164 = arith.mulf %mul3A_163, %mul3A_162 : vector<16xf32>
          %sub3A_165 = arith.constant 1.500000e+00 : f32
          %sub3A_166 = vector.broadcast %sub3A_165 : f32 to vector<16xf32>
          %sub3A_167 = arith.subf %sub3A_166, %mul3A_164 : vector<16xf32>
          %mul3A_168 = arith.mulf %mul3A_162, %sub3A_167 : vector<16xf32>
          %mul3A_169 = arith.constant 16 : i32
          %mul3A_170 = vector.broadcast %mul3A_169 : i32 to vector<16xi32>
          %mul3A_171 = arith.muli %convert_element_type3A, %mul3A_170 : vector<16xi32>
          %add3A_172 = arith.addi %mul3A_171, %convert_element_type3A_131 : vector<16xi32>
          %gather3A_173 = tpu.vector_load_idx %arg14[%add3A_172] : memref<256xf32, #tpu.memory_space<vmem>>[vector<16xi32>], vector<16xf32>,
          %gather3A_174 = tpu.vector_load_idx %arg15[%add3A_172] : memref<256xf32, #tpu.memory_space<vmem>>[vector<16xi32>], vector<16xf32>,
          %mul3A_175 = arith.mulf %mul3A_168, %mul3A_168 : vector<16xf32>
          %mul3A_176 = arith.mulf %gather3A_174, %gather3A_174 : vector<16xf32>
          %mul3A_177 = arith.mulf %mul3A_176, %mul3A_175 : vector<16xf32>
          %mul3A_178 = arith.mulf %mul3A_177, %mul3A_177 : vector<16xf32>
          %mul3A_179 = arith.mulf %mul3A_178, %mul3A_177 : vector<16xf32>
          %mul3A_180 = arith.constant 4.000000e+00 : f32
          %mul3A_181 = vector.broadcast %mul3A_180 : f32 to vector<16xf32>
          %mul3A_182 = arith.mulf %mul3A_181, %gather3A_173 : vector<16xf32>
          %mul3A_183 = arith.mulf %mul3A_179, %mul3A_179 : vector<16xf32>
          %sub3A_184 = arith.subf %mul3A_183, %mul3A_179 : vector<16xf32>
          %mul3A_185 = arith.mulf %mul3A_182, %sub3A_184 : vector<16xf32>
          %mul3A_186 = arith.constant 332.073181 : f32
          %mul3A_187 = vector.broadcast %mul3A_186 : f32 to vector<16xf32>
          %mul3A_188 = arith.mulf %mul3A_187, %gather3A_121 : vector<16xf32>
          %mul3A_189 = arith.mulf %mul3A_188, %gather3A_124 : vector<16xf32>
          %mul3A_190 = arith.mulf %mul3A_189, %mul3A_168 : vector<16xf32>
          %get3A = arith.index_cast %mul3A_47 : i32 to index
          %get3A_191 = arith.index_cast %mul3A_96 : i32 to index
          %get3A_192 = tpu.vector_load %arg10[%get3A, %get3A_191] {strides = array<i32>} : memref<10x1024xf32, #tpu.memory_space<vmem>>, vector<16xf32>,
          %mul3A_193 = arith.constant 5.000000e-01 : f32
          %mul3A_194 = vector.broadcast %mul3A_193 : f32 to vector<16xf32>
          %mul3A_195 = arith.mulf %mul3A_194, %get3A_192 : vector<16xf32>
          %add3A_196 = arith.addf %mul3A_185, %mul3A_190 : vector<16xf32>
          %mul3A_197 = arith.mulf %mul3A_195, %add3A_196 : vector<16xf32>
          %get3A_198 = arith.index_cast %mul3A_47 : i32 to index
          %get3A_199 = arith.index_cast %mul3A_96 : i32 to index
          %get3A_200 = tpu.vector_load %arg9[%get3A_198, %get3A_199] {strides = array<i32>} : memref<10x2048xi32, #tpu.memory_space<vmem>>, vector<16xi32>,
          %add3A_201 = arith.constant 1024 : i32
          %add3A_202 = arith.addi %add3A_201, %mul3A_96 : i32
          %get3A_203 = arith.index_cast %mul3A_47 : i32 to index
          %get3A_204 = arith.index_cast %add3A_202 : i32 to index
          %get3A_205 = tpu.vector_load %arg9[%get3A_203, %get3A_204] {strides = array<i32>} : memref<10x2048xi32, #tpu.memory_space<vmem>>, vector<16xi32>,
          tpu.vector_store_idx %arg13[%get3A_200], %mul3A_197 {add = true} : memref<51200xf32, #tpu.memory_space<vmem>>[vector<16xi32>], vector<16xf32>,
          tpu.vector_store_idx %arg13[%get3A_205], %mul3A_197 {add = true} : memref<51200xf32, #tpu.memory_space<vmem>>[vector<16xi32>], vector<16xf32>,
          %mul3A_206 = arith.constant 4 : i32
          %mul3A_207 = arith.muli %scan3A_89, %mul3A_206 : i32
          %add3A_208 = arith.constant 1 : i32
          %add3A_209 = arith.addi %mul3A_207, %add3A_208 : i32
          %mul3A_210 = arith.constant 16 : i32
          %mul3A_211 = arith.muli %add3A_209, %mul3A_210 : i32
          %iota3A_212 = tpu.iota {dimensions = array<i32: 0>} : vector<16xi32>
          %add3A_213 = vector.broadcast %mul3A_211 : i32 to vector<16xi32>
          %add3A_214 = arith.addi %iota3A_212, %add3A_213 : vector<16xi32>
          %add3A_215 = arith.constant 1024 : i32
          %add3A_216 = vector.broadcast %add3A_215 : i32 to vector<16xi32>
          %add3A_217 = arith.addi %add3A_214, %add3A_216 : vector<16xi32>
          %broadcast_in_dim3A_218 = arith.constant 0 : i32
          %broadcast_in_dim3A_219 = vector.broadcast %broadcast_in_dim3A_218 : i32 to vector<16xi32>
          %gather3A_220 = tpu.vector_load_idx %arg11[%add3A_214, %broadcast_in_dim3A_219] : memref<2048x8xf32, #tpu.memory_space<vmem>>[vector<16xi32>, vector<16xi32>], vector<16xf32>,
          %broadcast_in_dim3A_221 = arith.constant 1 : i32
          %broadcast_in_dim3A_222 = vector.broadcast %broadcast_in_dim3A_221 : i32 to vector<16xi32>
          %gather3A_223 = tpu.vector_load_idx %arg11[%add3A_214, %broadcast_in_dim3A_222] : memref<2048x8xf32, #tpu.memory_space<vmem>>[vector<16xi32>, vector<16xi32>], vector<16xf32>,
          %broadcast_in_dim3A_224 = arith.constant 2 : i32
          %broadcast_in_dim3A_225 = vector.broadcast %broadcast_in_dim3A_224 : i32 to vector<16xi32>
          %gather3A_226 = tpu.vector_load_idx %arg11[%add3A_214, %broadcast_in_dim3A_225] : memref<2048x8xf32, #tpu.memory_space<vmem>>[vector<16xi32>, vector<16xi32>], vector<16xf32>,
          %broadcast_in_dim3A_227 = arith.constant 0 : i32
          %broadcast_in_dim3A_228 = vector.broadcast %broadcast_in_dim3A_227 : i32 to vector<16xi32>
          %gather3A_229 = tpu.vector_load_idx %arg11[%add3A_217, %broadcast_in_dim3A_228] : memref<2048x8xf32, #tpu.memory_space<vmem>>[vector<16xi32>, vector<16xi32>], vector<16xf32>,
          %broadcast_in_dim3A_230 = arith.constant 1 : i32
          %broadcast_in_dim3A_231 = vector.broadcast %broadcast_in_dim3A_230 : i32 to vector<16xi32>
          %gather3A_232 = tpu.vector_load_idx %arg11[%add3A_217, %broadcast_in_dim3A_231] : memref<2048x8xf32, #tpu.memory_space<vmem>>[vector<16xi32>, vector<16xi32>], vector<16xf32>,
          %broadcast_in_dim3A_233 = arith.constant 2 : i32
          %broadcast_in_dim3A_234 = vector.broadcast %broadcast_in_dim3A_233 : i32 to vector<16xi32>
          %gather3A_235 = tpu.vector_load_idx %arg11[%add3A_217, %broadcast_in_dim3A_234] : memref<2048x8xf32, #tpu.memory_space<vmem>>[vector<16xi32>, vector<16xi32>], vector<16xf32>,
          %broadcast_in_dim3A_236 = arith.constant 3 : i32
          %broadcast_in_dim3A_237 = vector.broadcast %broadcast_in_dim3A_236 : i32 to vector<16xi32>
          %gather3A_238 = tpu.vector_load_idx %arg11[%add3A_214, %broadcast_in_dim3A_237] : memref<2048x8xf32, #tpu.memory_space<vmem>>[vector<16xi32>, vector<16xi32>], vector<16xf32>,
          %broadcast_in_dim3A_239 = arith.constant 3 : i32
          %broadcast_in_dim3A_240 = vector.broadcast %broadcast_in_dim3A_239 : i32 to vector<16xi32>
          %gather3A_241 = tpu.vector_load_idx %arg11[%add3A_217, %broadcast_in_dim3A_240] : memref<2048x8xf32, #tpu.memory_space<vmem>>[vector<16xi32>, vector<16xi32>], vector<16xf32>,
          %broadcast_in_dim3A_242 = arith.constant 4 : i32
          %broadcast_in_dim3A_243 = vector.broadcast %broadcast_in_dim3A_242 : i32 to vector<16xi32>
          %gather3A_244 = tpu.vector_load_idx %arg11[%add3A_214, %broadcast_in_dim3A_243] : memref<2048x8xf32, #tpu.memory_space<vmem>>[vector<16xi32>, vector<16xi32>], vector<16xf32>,
          %convert_element_type3A_245 = arith.fptosi %gather3A_244 : vector<16xf32> to vector<16xi32>
          %broadcast_in_dim3A_246 = arith.constant 4 : i32
          %broadcast_in_dim3A_247 = vector.broadcast %broadcast_in_dim3A_246 : i32 to vector<16xi32>
          %gather3A_248 = tpu.vector_load_idx %arg11[%add3A_217, %broadcast_in_dim3A_247] : memref<2048x8xf32, #tpu.memory_space<vmem>>[vector<16xi32>, vector<16xi32>], vector<16xf32>,
          %convert_element_type3A_249 = arith.fptosi %gather3A_248 : vector<16xf32> to vector<16xi32>
          %sub3A_250 = arith.subf %gather3A_229, %gather3A_220 : vector<16xf32>
          %sub3A_251 = arith.subf %gather3A_232, %gather3A_223 : vector<16xf32>
          %sub3A_252 = arith.subf %gather3A_235, %gather3A_226 : vector<16xf32>
          %mul3A_253 = arith.mulf %sub3A_250, %sub3A_250 : vector<16xf32>
          %mul3A_254 = arith.mulf %sub3A_251, %sub3A_251 : vector<16xf32>
          %add3A_255 = arith.addf %mul3A_253, %mul3A_254 : vector<16xf32>
          %mul3A_256 = arith.mulf %sub3A_252, %sub3A_252 : vector<16xf32>
          %add3A_257 = arith.addf %add3A_255, %mul3A_256 : vector<16xf32>
          %add3A_258 = arith.constant 9.99999997E-7 : f32
          %add3A_259 = vector.broadcast %add3A_258 : f32 to vector<16xf32>
          %add3A_260 = arith.addf %add3A_257, %add3A_259 : vector<16xf32>
          %bitcast3A_261 = vector.bitcast %add3A_260 : vector<16xf32> to vector<16xi32>
          %shift_right_logical3A_262 = arith.constant 1 : i32
          %shift_right_logical3A_263 = vector.broadcast %shift_right_logical3A_262 : i32 to vector<16xi32>
          %shift_right_logical3A_264 = arith.shrui %bitcast3A_261, %shift_right_logical3A_263 : vector<16xi32>
          %sub3A_265 = arith.constant 1597463007 : i32
          %sub3A_266 = vector.broadcast %sub3A_265 : i32 to vector<16xi32>
          %sub3A_267 = arith.subi %sub3A_266, %shift_right_logical3A_264 : vector<16xi32>
          %bitcast3A_268 = vector.bitcast %sub3A_267 : vector<16xi32> to vector<16xf32>
          %mul3A_269 = arith.constant 5.000000e-01 : f32
          %mul3A_270 = vector.broadcast %mul3A_269 : f32 to vector<16xf32>
          %mul3A_271 = arith.mulf %mul3A_270, %add3A_260 : vector<16xf32>
          %mul3A_272 = arith.mulf %mul3A_271, %bitcast3A_268 : vector<16xf32>
          %mul3A_273 = arith.mulf %mul3A_272, %bitcast3A_268 : vector<16xf32>
          %sub3A_274 = arith.constant 1.500000e+00 : f32
          %sub3A_275 = vector.broadcast %sub3A_274 : f32 to vector<16xf32>
          %sub3A_276 = arith.subf %sub3A_275, %mul3A_273 : vector<16xf32>
          %mul3A_277 = arith.mulf %bitcast3A_268, %sub3A_276 : vector<16xf32>
          %mul3A_278 = arith.mulf %mul3A_271, %mul3A_277 : vector<16xf32>
          %mul3A_279 = arith.mulf %mul3A_278, %mul3A_277 : vector<16xf32>
          %sub3A_280 = arith.constant 1.500000e+00 : f32
          %sub3A_281 = vector.broadcast %sub3A_280 : f32 to vector<16xf32>
          %sub3A_282 = arith.subf %sub3A_281, %mul3A_279 : vector<16xf32>
          %mul3A_283 = arith.mulf %mul3A_277, %sub3A_282 : vector<16xf32>
          %mul3A_284 = arith.mulf %mul3A_271, %mul3A_283 : vector<16xf32>
          %mul3A_285 = arith.mulf %mul3A_284, %mul3A_283 : vector<16xf32>
          %sub3A_286 = arith.constant 1.500000e+00 : f32
          %sub3A_287 = vector.broadcast %sub3A_286 : f32 to vector<16xf32>
          %sub3A_288 = arith.subf %sub3A_287, %mul3A_285 : vector<16xf32>
          %mul3A_289 = arith.mulf %mul3A_283, %sub3A_288 : vector<16xf32>
          %mul3A_290 = arith.constant 16 : i32
          %mul3A_291 = vector.broadcast %mul3A_290 : i32 to vector<16xi32>
          %mul3A_292 = arith.muli %convert_element_type3A_245, %mul3A_291 : vector<16xi32>
          %add3A_293 = arith.addi %mul3A_292, %convert_element_type3A_249 : vector<16xi32>
          %gather3A_294 = tpu.vector_load_idx %arg14[%add3A_293] : memref<256xf32, #tpu.memory_space<vmem>>[vector<16xi32>], vector<16xf32>,
          %gather3A_295 = tpu.vector_load_idx %arg15[%add3A_293] : memref<256xf32, #tpu.memory_space<vmem>>[vector<16xi32>], vector<16xf32>,
          %mul3A_296 = arith.mulf %mul3A_289, %mul3A_289 : vector<16xf32>
          %mul3A_297 = arith.mulf %gather3A_295, %gather3A_295 : vector<16xf32>
          %mul3A_298 = arith.mulf %mul3A_297, %mul3A_296 : vector<16xf32>
          %mul3A_299 = arith.mulf %mul3A_298, %mul3A_298 : vector<16xf32>
          %mul3A_300 = arith.mulf %mul3A_299, %mul3A_298 : vector<16xf32>
          %mul3A_301 = arith.constant 4.000000e+00 : f32
          %mul3A_302 = vector.broadcast %mul3A_301 : f32 to vector<16xf32>
          %mul3A_303 = arith.mulf %mul3A_302, %gather3A_294 : vector<16xf32>
          %mul3A_304 = arith.mulf %mul3A_300, %mul3A_300 : vector<16xf32>
          %sub3A_305 = arith.subf %mul3A_304, %mul3A_300 : vector<16xf32>
          %mul3A_306 = arith.mulf %mul3A_303, %sub3A_305 : vector<16xf32>
          %mul3A_307 = arith.constant 332.073181 : f32
          %mul3A_308 = vector.broadcast %mul3A_307 : f32 to vector<16xf32>
          %mul3A_309 = arith.mulf %mul3A_308, %gather3A_238 : vector<16xf32>
          %mul3A_310 = arith.mulf %mul3A_309, %gather3A_241 : vector<16xf32>
          %mul3A_311 = arith.mulf %mul3A_310, %mul3A_289 : vector<16xf32>
          %get3A_312 = arith.index_cast %mul3A_47 : i32 to index
          %get3A_313 = arith.index_cast %mul3A_211 : i32 to index
          %get3A_314 = tpu.vector_load %arg10[%get3A_312, %get3A_313] {strides = array<i32>} : memref<10x1024xf32, #tpu.memory_space<vmem>>, vector<16xf32>,
          %mul3A_315 = arith.constant 5.000000e-01 : f32
          %mul3A_316 = vector.broadcast %mul3A_315 : f32 to vector<16xf32>
          %mul3A_317 = arith.mulf %mul3A_316, %get3A_314 : vector<16xf32>
          %add3A_318 = arith.addf %mul3A_306, %mul3A_311 : vector<16xf32>
          %mul3A_319 = arith.mulf %mul3A_317, %add3A_318 : vector<16xf32>
          %get3A_320 = arith.index_cast %mul3A_47 : i32 to index
          %get3A_321 = arith.index_cast %mul3A_211 : i32 to index
          %get3A_322 = tpu.vector_load %arg9[%get3A_320, %get3A_321] {strides = array<i32>} : memref<10x2048xi32, #tpu.memory_space<vmem>>, vector<16xi32>,
          %add3A_323 = arith.constant 1024 : i32
          %add3A_324 = arith.addi %add3A_323, %mul3A_211 : i32
          %get3A_325 = arith.index_cast %mul3A_47 : i32 to index
          %get3A_326 = arith.index_cast %add3A_324 : i32 to index
          %get3A_327 = tpu.vector_load %arg9[%get3A_325, %get3A_326] {strides = array<i32>} : memref<10x2048xi32, #tpu.memory_space<vmem>>, vector<16xi32>,
          tpu.vector_store_idx %arg13[%get3A_322], %mul3A_319 {add = true} : memref<51200xf32, #tpu.memory_space<vmem>>[vector<16xi32>], vector<16xf32>,
          tpu.vector_store_idx %arg13[%get3A_327], %mul3A_319 {add = true} : memref<51200xf32, #tpu.memory_space<vmem>>[vector<16xi32>], vector<16xf32>,
          %mul3A_328 = arith.constant 4 : i32
          %mul3A_329 = arith.muli %scan3A_89, %mul3A_328 : i32
          %add3A_330 = arith.constant 2 : i32
          %add3A_331 = arith.addi %mul3A_329, %add3A_330 : i32
          %mul3A_332 = arith.constant 16 : i32
          %mul3A_333 = arith.muli %add3A_331, %mul3A_332 : i32
          %iota3A_334 = tpu.iota {dimensions = array<i32: 0>} : vector<16xi32>
          %add3A_335 = vector.broadcast %mul3A_333 : i32 to vector<16xi32>
          %add3A_336 = arith.addi %iota3A_334, %add3A_335 : vector<16xi32>
          %add3A_337 = arith.constant 1024 : i32
          %add3A_338 = vector.broadcast %add3A_337 : i32 to vector<16xi32>
          %add3A_339 = arith.addi %add3A_336, %add3A_338 : vector<16xi32>
          %broadcast_in_dim3A_340 = arith.constant 0 : i32
          %broadcast_in_dim3A_341 = vector.broadcast %broadcast_in_dim3A_340 : i32 to vector<16xi32>
          %gather3A_342 = tpu.vector_load_idx %arg11[%add3A_336, %broadcast_in_dim3A_341] : memref<2048x8xf32, #tpu.memory_space<vmem>>[vector<16xi32>, vector<16xi32>], vector<16xf32>,
          %broadcast_in_dim3A_343 = arith.constant 1 : i32
          %broadcast_in_dim3A_344 = vector.broadcast %broadcast_in_dim3A_343 : i32 to vector<16xi32>
          %gather3A_345 = tpu.vector_load_idx %arg11[%add3A_336, %broadcast_in_dim3A_344] : memref<2048x8xf32, #tpu.memory_space<vmem>>[vector<16xi32>, vector<16xi32>], vector<16xf32>,
          %broadcast_in_dim3A_346 = arith.constant 2 : i32
          %broadcast_in_dim3A_347 = vector.broadcast %broadcast_in_dim3A_346 : i32 to vector<16xi32>
          %gather3A_348 = tpu.vector_load_idx %arg11[%add3A_336, %broadcast_in_dim3A_347] : memref<2048x8xf32, #tpu.memory_space<vmem>>[vector<16xi32>, vector<16xi32>], vector<16xf32>,
          %broadcast_in_dim3A_349 = arith.constant 0 : i32
          %broadcast_in_dim3A_350 = vector.broadcast %broadcast_in_dim3A_349 : i32 to vector<16xi32>
          %gather3A_351 = tpu.vector_load_idx %arg11[%add3A_339, %broadcast_in_dim3A_350] : memref<2048x8xf32, #tpu.memory_space<vmem>>[vector<16xi32>, vector<16xi32>], vector<16xf32>,
          %broadcast_in_dim3A_352 = arith.constant 1 : i32
          %broadcast_in_dim3A_353 = vector.broadcast %broadcast_in_dim3A_352 : i32 to vector<16xi32>
          %gather3A_354 = tpu.vector_load_idx %arg11[%add3A_339, %broadcast_in_dim3A_353] : memref<2048x8xf32, #tpu.memory_space<vmem>>[vector<16xi32>, vector<16xi32>], vector<16xf32>,
          %broadcast_in_dim3A_355 = arith.constant 2 : i32
          %broadcast_in_dim3A_356 = vector.broadcast %broadcast_in_dim3A_355 : i32 to vector<16xi32>
          %gather3A_357 = tpu.vector_load_idx %arg11[%add3A_339, %broadcast_in_dim3A_356] : memref<2048x8xf32, #tpu.memory_space<vmem>>[vector<16xi32>, vector<16xi32>], vector<16xf32>,
          %broadcast_in_dim3A_358 = arith.constant 3 : i32
          %broadcast_in_dim3A_359 = vector.broadcast %broadcast_in_dim3A_358 : i32 to vector<16xi32>
          %gather3A_360 = tpu.vector_load_idx %arg11[%add3A_336, %broadcast_in_dim3A_359] : memref<2048x8xf32, #tpu.memory_space<vmem>>[vector<16xi32>, vector<16xi32>], vector<16xf32>,
          %broadcast_in_dim3A_361 = arith.constant 3 : i32
          %broadcast_in_dim3A_362 = vector.broadcast %broadcast_in_dim3A_361 : i32 to vector<16xi32>
          %gather3A_363 = tpu.vector_load_idx %arg11[%add3A_339, %broadcast_in_dim3A_362] : memref<2048x8xf32, #tpu.memory_space<vmem>>[vector<16xi32>, vector<16xi32>], vector<16xf32>,
          %broadcast_in_dim3A_364 = arith.constant 4 : i32
          %broadcast_in_dim3A_365 = vector.broadcast %broadcast_in_dim3A_364 : i32 to vector<16xi32>
          %gather3A_366 = tpu.vector_load_idx %arg11[%add3A_336, %broadcast_in_dim3A_365] : memref<2048x8xf32, #tpu.memory_space<vmem>>[vector<16xi32>, vector<16xi32>], vector<16xf32>,
          %convert_element_type3A_367 = arith.fptosi %gather3A_366 : vector<16xf32> to vector<16xi32>
          %broadcast_in_dim3A_368 = arith.constant 4 : i32
          %broadcast_in_dim3A_369 = vector.broadcast %broadcast_in_dim3A_368 : i32 to vector<16xi32>
          %gather3A_370 = tpu.vector_load_idx %arg11[%add3A_339, %broadcast_in_dim3A_369] : memref<2048x8xf32, #tpu.memory_space<vmem>>[vector<16xi32>, vector<16xi32>], vector<16xf32>,
          %convert_element_type3A_371 = arith.fptosi %gather3A_370 : vector<16xf32> to vector<16xi32>
          %sub3A_372 = arith.subf %gather3A_351, %gather3A_342 : vector<16xf32>
          %sub3A_373 = arith.subf %gather3A_354, %gather3A_345 : vector<16xf32>
          %sub3A_374 = arith.subf %gather3A_357, %gather3A_348 : vector<16xf32>
          %mul3A_375 = arith.mulf %sub3A_372, %sub3A_372 : vector<16xf32>
          %mul3A_376 = arith.mulf %sub3A_373, %sub3A_373 : vector<16xf32>
          %add3A_377 = arith.addf %mul3A_375, %mul3A_376 : vector<16xf32>
          %mul3A_378 = arith.mulf %sub3A_374, %sub3A_374 : vector<16xf32>
          %add3A_379 = arith.addf %add3A_377, %mul3A_378 : vector<16xf32>
          %add3A_380 = arith.constant 9.99999997E-7 : f32
          %add3A_381 = vector.broadcast %add3A_380 : f32 to vector<16xf32>
          %add3A_382 = arith.addf %add3A_379, %add3A_381 : vector<16xf32>
          %bitcast3A_383 = vector.bitcast %add3A_382 : vector<16xf32> to vector<16xi32>
          %shift_right_logical3A_384 = arith.constant 1 : i32
          %shift_right_logical3A_385 = vector.broadcast %shift_right_logical3A_384 : i32 to vector<16xi32>
          %shift_right_logical3A_386 = arith.shrui %bitcast3A_383, %shift_right_logical3A_385 : vector<16xi32>
          %sub3A_387 = arith.constant 1597463007 : i32
          %sub3A_388 = vector.broadcast %sub3A_387 : i32 to vector<16xi32>
          %sub3A_389 = arith.subi %sub3A_388, %shift_right_logical3A_386 : vector<16xi32>
          %bitcast3A_390 = vector.bitcast %sub3A_389 : vector<16xi32> to vector<16xf32>
          %mul3A_391 = arith.constant 5.000000e-01 : f32
          %mul3A_392 = vector.broadcast %mul3A_391 : f32 to vector<16xf32>
          %mul3A_393 = arith.mulf %mul3A_392, %add3A_382 : vector<16xf32>
          %mul3A_394 = arith.mulf %mul3A_393, %bitcast3A_390 : vector<16xf32>
          %mul3A_395 = arith.mulf %mul3A_394, %bitcast3A_390 : vector<16xf32>
          %sub3A_396 = arith.constant 1.500000e+00 : f32
          %sub3A_397 = vector.broadcast %sub3A_396 : f32 to vector<16xf32>
          %sub3A_398 = arith.subf %sub3A_397, %mul3A_395 : vector<16xf32>
          %mul3A_399 = arith.mulf %bitcast3A_390, %sub3A_398 : vector<16xf32>
          %mul3A_400 = arith.mulf %mul3A_393, %mul3A_399 : vector<16xf32>
          %mul3A_401 = arith.mulf %mul3A_400, %mul3A_399 : vector<16xf32>
          %sub3A_402 = arith.constant 1.500000e+00 : f32
          %sub3A_403 = vector.broadcast %sub3A_402 : f32 to vector<16xf32>
          %sub3A_404 = arith.subf %sub3A_403, %mul3A_401 : vector<16xf32>
          %mul3A_405 = arith.mulf %mul3A_399, %sub3A_404 : vector<16xf32>
          %mul3A_406 = arith.mulf %mul3A_393, %mul3A_405 : vector<16xf32>
          %mul3A_407 = arith.mulf %mul3A_406, %mul3A_405 : vector<16xf32>
          %sub3A_408 = arith.constant 1.500000e+00 : f32
          %sub3A_409 = vector.broadcast %sub3A_408 : f32 to vector<16xf32>
          %sub3A_410 = arith.subf %sub3A_409, %mul3A_407 : vector<16xf32>
          %mul3A_411 = arith.mulf %mul3A_405, %sub3A_410 : vector<16xf32>
          %mul3A_412 = arith.constant 16 : i32
          %mul3A_413 = vector.broadcast %mul3A_412 : i32 to vector<16xi32>
          %mul3A_414 = arith.muli %convert_element_type3A_367, %mul3A_413 : vector<16xi32>
          %add3A_415 = arith.addi %mul3A_414, %convert_element_type3A_371 : vector<16xi32>
          %gather3A_416 = tpu.vector_load_idx %arg14[%add3A_415] : memref<256xf32, #tpu.memory_space<vmem>>[vector<16xi32>], vector<16xf32>,
          %gather3A_417 = tpu.vector_load_idx %arg15[%add3A_415] : memref<256xf32, #tpu.memory_space<vmem>>[vector<16xi32>], vector<16xf32>,
          %mul3A_418 = arith.mulf %mul3A_411, %mul3A_411 : vector<16xf32>
          %mul3A_419 = arith.mulf %gather3A_417, %gather3A_417 : vector<16xf32>
          %mul3A_420 = arith.mulf %mul3A_419, %mul3A_418 : vector<16xf32>
          %mul3A_421 = arith.mulf %mul3A_420, %mul3A_420 : vector<16xf32>
          %mul3A_422 = arith.mulf %mul3A_421, %mul3A_420 : vector<16xf32>
          %mul3A_423 = arith.constant 4.000000e+00 : f32
          %mul3A_424 = vector.broadcast %mul3A_423 : f32 to vector<16xf32>
          %mul3A_425 = arith.mulf %mul3A_424, %gather3A_416 : vector<16xf32>
          %mul3A_426 = arith.mulf %mul3A_422, %mul3A_422 : vector<16xf32>
          %sub3A_427 = arith.subf %mul3A_426, %mul3A_422 : vector<16xf32>
          %mul3A_428 = arith.mulf %mul3A_425, %sub3A_427 : vector<16xf32>
          %mul3A_429 = arith.constant 332.073181 : f32
          %mul3A_430 = vector.broadcast %mul3A_429 : f32 to vector<16xf32>
          %mul3A_431 = arith.mulf %mul3A_430, %gather3A_360 : vector<16xf32>
          %mul3A_432 = arith.mulf %mul3A_431, %gather3A_363 : vector<16xf32>
          %mul3A_433 = arith.mulf %mul3A_432, %mul3A_411 : vector<16xf32>
          %get3A_434 = arith.index_cast %mul3A_47 : i32 to index
          %get3A_435 = arith.index_cast %mul3A_333 : i32 to index
          %get3A_436 = tpu.vector_load %arg10[%get3A_434, %get3A_435] {strides = array<i32>} : memref<10x1024xf32, #tpu.memory_space<vmem>>, vector<16xf32>,
          %mul3A_437 = arith.constant 5.000000e-01 : f32
          %mul3A_438 = vector.broadcast %mul3A_437 : f32 to vector<16xf32>
          %mul3A_439 = arith.mulf %mul3A_438, %get3A_436 : vector<16xf32>
          %add3A_440 = arith.addf %mul3A_428, %mul3A_433 : vector<16xf32>
          %mul3A_441 = arith.mulf %mul3A_439, %add3A_440 : vector<16xf32>
          %get3A_442 = arith.index_cast %mul3A_47 : i32 to index
          %get3A_443 = arith.index_cast %mul3A_333 : i32 to index
          %get3A_444 = tpu.vector_load %arg9[%get3A_442, %get3A_443] {strides = array<i32>} : memref<10x2048xi32, #tpu.memory_space<vmem>>, vector<16xi32>,
          %add3A_445 = arith.constant 1024 : i32
          %add3A_446 = arith.addi %add3A_445, %mul3A_333 : i32
          %get3A_447 = arith.index_cast %mul3A_47 : i32 to index
          %get3A_448 = arith.index_cast %add3A_446 : i32 to index
          %get3A_449 = tpu.vector_load %arg9[%get3A_447, %get3A_448] {strides = array<i32>} : memref<10x2048xi32, #tpu.memory_space<vmem>>, vector<16xi32>,
          tpu.vector_store_idx %arg13[%get3A_444], %mul3A_441 {add = true} : memref<51200xf32, #tpu.memory_space<vmem>>[vector<16xi32>], vector<16xf32>,
          tpu.vector_store_idx %arg13[%get3A_449], %mul3A_441 {add = true} : memref<51200xf32, #tpu.memory_space<vmem>>[vector<16xi32>], vector<16xf32>,
          %mul3A_450 = arith.constant 4 : i32
          %mul3A_451 = arith.muli %scan3A_89, %mul3A_450 : i32
          %add3A_452 = arith.constant 3 : i32
          %add3A_453 = arith.addi %mul3A_451, %add3A_452 : i32
          %mul3A_454 = arith.constant 16 : i32
          %mul3A_455 = arith.muli %add3A_453, %mul3A_454 : i32
          %iota3A_456 = tpu.iota {dimensions = array<i32: 0>} : vector<16xi32>
          %add3A_457 = vector.broadcast %mul3A_455 : i32 to vector<16xi32>
          %add3A_458 = arith.addi %iota3A_456, %add3A_457 : vector<16xi32>
          %add3A_459 = arith.constant 1024 : i32
          %add3A_460 = vector.broadcast %add3A_459 : i32 to vector<16xi32>
          %add3A_461 = arith.addi %add3A_458, %add3A_460 : vector<16xi32>
          %broadcast_in_dim3A_462 = arith.constant 0 : i32
          %broadcast_in_dim3A_463 = vector.broadcast %broadcast_in_dim3A_462 : i32 to vector<16xi32>
          %gather3A_464 = tpu.vector_load_idx %arg11[%add3A_458, %broadcast_in_dim3A_463] : memref<2048x8xf32, #tpu.memory_space<vmem>>[vector<16xi32>, vector<16xi32>], vector<16xf32>,
          %broadcast_in_dim3A_465 = arith.constant 1 : i32
          %broadcast_in_dim3A_466 = vector.broadcast %broadcast_in_dim3A_465 : i32 to vector<16xi32>
          %gather3A_467 = tpu.vector_load_idx %arg11[%add3A_458, %broadcast_in_dim3A_466] : memref<2048x8xf32, #tpu.memory_space<vmem>>[vector<16xi32>, vector<16xi32>], vector<16xf32>,
          %broadcast_in_dim3A_468 = arith.constant 2 : i32
          %broadcast_in_dim3A_469 = vector.broadcast %broadcast_in_dim3A_468 : i32 to vector<16xi32>
          %gather3A_470 = tpu.vector_load_idx %arg11[%add3A_458, %broadcast_in_dim3A_469] : memref<2048x8xf32, #tpu.memory_space<vmem>>[vector<16xi32>, vector<16xi32>], vector<16xf32>,
          %broadcast_in_dim3A_471 = arith.constant 0 : i32
          %broadcast_in_dim3A_472 = vector.broadcast %broadcast_in_dim3A_471 : i32 to vector<16xi32>
          %gather3A_473 = tpu.vector_load_idx %arg11[%add3A_461, %broadcast_in_dim3A_472] : memref<2048x8xf32, #tpu.memory_space<vmem>>[vector<16xi32>, vector<16xi32>], vector<16xf32>,
          %broadcast_in_dim3A_474 = arith.constant 1 : i32
          %broadcast_in_dim3A_475 = vector.broadcast %broadcast_in_dim3A_474 : i32 to vector<16xi32>
          %gather3A_476 = tpu.vector_load_idx %arg11[%add3A_461, %broadcast_in_dim3A_475] : memref<2048x8xf32, #tpu.memory_space<vmem>>[vector<16xi32>, vector<16xi32>], vector<16xf32>,
          %broadcast_in_dim3A_477 = arith.constant 2 : i32
          %broadcast_in_dim3A_478 = vector.broadcast %broadcast_in_dim3A_477 : i32 to vector<16xi32>
          %gather3A_479 = tpu.vector_load_idx %arg11[%add3A_461, %broadcast_in_dim3A_478] : memref<2048x8xf32, #tpu.memory_space<vmem>>[vector<16xi32>, vector<16xi32>], vector<16xf32>,
          %broadcast_in_dim3A_480 = arith.constant 3 : i32
          %broadcast_in_dim3A_481 = vector.broadcast %broadcast_in_dim3A_480 : i32 to vector<16xi32>
          %gather3A_482 = tpu.vector_load_idx %arg11[%add3A_458, %broadcast_in_dim3A_481] : memref<2048x8xf32, #tpu.memory_space<vmem>>[vector<16xi32>, vector<16xi32>], vector<16xf32>,
          %broadcast_in_dim3A_483 = arith.constant 3 : i32
          %broadcast_in_dim3A_484 = vector.broadcast %broadcast_in_dim3A_483 : i32 to vector<16xi32>
          %gather3A_485 = tpu.vector_load_idx %arg11[%add3A_461, %broadcast_in_dim3A_484] : memref<2048x8xf32, #tpu.memory_space<vmem>>[vector<16xi32>, vector<16xi32>], vector<16xf32>,
          %broadcast_in_dim3A_486 = arith.constant 4 : i32
          %broadcast_in_dim3A_487 = vector.broadcast %broadcast_in_dim3A_486 : i32 to vector<16xi32>
          %gather3A_488 = tpu.vector_load_idx %arg11[%add3A_458, %broadcast_in_dim3A_487] : memref<2048x8xf32, #tpu.memory_space<vmem>>[vector<16xi32>, vector<16xi32>], vector<16xf32>,
          %convert_element_type3A_489 = arith.fptosi %gather3A_488 : vector<16xf32> to vector<16xi32>
          %broadcast_in_dim3A_490 = arith.constant 4 : i32
          %broadcast_in_dim3A_491 = vector.broadcast %broadcast_in_dim3A_490 : i32 to vector<16xi32>
          %gather3A_492 = tpu.vector_load_idx %arg11[%add3A_461, %broadcast_in_dim3A_491] : memref<2048x8xf32, #tpu.memory_space<vmem>>[vector<16xi32>, vector<16xi32>], vector<16xf32>,
          %convert_element_type3A_493 = arith.fptosi %gather3A_492 : vector<16xf32> to vector<16xi32>
          %sub3A_494 = arith.subf %gather3A_473, %gather3A_464 : vector<16xf32>
          %sub3A_495 = arith.subf %gather3A_476, %gather3A_467 : vector<16xf32>
          %sub3A_496 = arith.subf %gather3A_479, %gather3A_470 : vector<16xf32>
          %mul3A_497 = arith.mulf %sub3A_494, %sub3A_494 : vector<16xf32>
          %mul3A_498 = arith.mulf %sub3A_495, %sub3A_495 : vector<16xf32>
          %add3A_499 = arith.addf %mul3A_497, %mul3A_498 : vector<16xf32>
          %mul3A_500 = arith.mulf %sub3A_496, %sub3A_496 : vector<16xf32>
          %add3A_501 = arith.addf %add3A_499, %mul3A_500 : vector<16xf32>
          %add3A_502 = arith.constant 9.99999997E-7 : f32
          %add3A_503 = vector.broadcast %add3A_502 : f32 to vector<16xf32>
          %add3A_504 = arith.addf %add3A_501, %add3A_503 : vector<16xf32>
          %bitcast3A_505 = vector.bitcast %add3A_504 : vector<16xf32> to vector<16xi32>
          %shift_right_logical3A_506 = arith.constant 1 : i32
          %shift_right_logical3A_507 = vector.broadcast %shift_right_logical3A_506 : i32 to vector<16xi32>
          %shift_right_logical3A_508 = arith.shrui %bitcast3A_505, %shift_right_logical3A_507 : vector<16xi32>
          %sub3A_509 = arith.constant 1597463007 : i32
          %sub3A_510 = vector.broadcast %sub3A_509 : i32 to vector<16xi32>
          %sub3A_511 = arith.subi %sub3A_510, %shift_right_logical3A_508 : vector<16xi32>
          %bitcast3A_512 = vector.bitcast %sub3A_511 : vector<16xi32> to vector<16xf32>
          %mul3A_513 = arith.constant 5.000000e-01 : f32
          %mul3A_514 = vector.broadcast %mul3A_513 : f32 to vector<16xf32>
          %mul3A_515 = arith.mulf %mul3A_514, %add3A_504 : vector<16xf32>
          %mul3A_516 = arith.mulf %mul3A_515, %bitcast3A_512 : vector<16xf32>
          %mul3A_517 = arith.mulf %mul3A_516, %bitcast3A_512 : vector<16xf32>
          %sub3A_518 = arith.constant 1.500000e+00 : f32
          %sub3A_519 = vector.broadcast %sub3A_518 : f32 to vector<16xf32>
          %sub3A_520 = arith.subf %sub3A_519, %mul3A_517 : vector<16xf32>
          %mul3A_521 = arith.mulf %bitcast3A_512, %sub3A_520 : vector<16xf32>
          %mul3A_522 = arith.mulf %mul3A_515, %mul3A_521 : vector<16xf32>
          %mul3A_523 = arith.mulf %mul3A_522, %mul3A_521 : vector<16xf32>
          %sub3A_524 = arith.constant 1.500000e+00 : f32
          %sub3A_525 = vector.broadcast %sub3A_524 : f32 to vector<16xf32>
          %sub3A_526 = arith.subf %sub3A_525, %mul3A_523 : vector<16xf32>
          %mul3A_527 = arith.mulf %mul3A_521, %sub3A_526 : vector<16xf32>
          %mul3A_528 = arith.mulf %mul3A_515, %mul3A_527 : vector<16xf32>
          %mul3A_529 = arith.mulf %mul3A_528, %mul3A_527 : vector<16xf32>
          %sub3A_530 = arith.constant 1.500000e+00 : f32
          %sub3A_531 = vector.broadcast %sub3A_530 : f32 to vector<16xf32>
          %sub3A_532 = arith.subf %sub3A_531, %mul3A_529 : vector<16xf32>
          %mul3A_533 = arith.mulf %mul3A_527, %sub3A_532 : vector<16xf32>
          %mul3A_534 = arith.constant 16 : i32
          %mul3A_535 = vector.broadcast %mul3A_534 : i32 to vector<16xi32>
          %mul3A_536 = arith.muli %convert_element_type3A_489, %mul3A_535 : vector<16xi32>
          %add3A_537 = arith.addi %mul3A_536, %convert_element_type3A_493 : vector<16xi32>
          %gather3A_538 = tpu.vector_load_idx %arg14[%add3A_537] : memref<256xf32, #tpu.memory_space<vmem>>[vector<16xi32>], vector<16xf32>,
          %gather3A_539 = tpu.vector_load_idx %arg15[%add3A_537] : memref<256xf32, #tpu.memory_space<vmem>>[vector<16xi32>], vector<16xf32>,
          %mul3A_540 = arith.mulf %mul3A_533, %mul3A_533 : vector<16xf32>
          %mul3A_541 = arith.mulf %gather3A_539, %gather3A_539 : vector<16xf32>
          %mul3A_542 = arith.mulf %mul3A_541, %mul3A_540 : vector<16xf32>
          %mul3A_543 = arith.mulf %mul3A_542, %mul3A_542 : vector<16xf32>
          %mul3A_544 = arith.mulf %mul3A_543, %mul3A_542 : vector<16xf32>
          %mul3A_545 = arith.constant 4.000000e+00 : f32
          %mul3A_546 = vector.broadcast %mul3A_545 : f32 to vector<16xf32>
          %mul3A_547 = arith.mulf %mul3A_546, %gather3A_538 : vector<16xf32>
          %mul3A_548 = arith.mulf %mul3A_544, %mul3A_544 : vector<16xf32>
          %sub3A_549 = arith.subf %mul3A_548, %mul3A_544 : vector<16xf32>
          %mul3A_550 = arith.mulf %mul3A_547, %sub3A_549 : vector<16xf32>
          %mul3A_551 = arith.constant 332.073181 : f32
          %mul3A_552 = vector.broadcast %mul3A_551 : f32 to vector<16xf32>
          %mul3A_553 = arith.mulf %mul3A_552, %gather3A_482 : vector<16xf32>
          %mul3A_554 = arith.mulf %mul3A_553, %gather3A_485 : vector<16xf32>
          %mul3A_555 = arith.mulf %mul3A_554, %mul3A_533 : vector<16xf32>
          %get3A_556 = arith.index_cast %mul3A_47 : i32 to index
          %get3A_557 = arith.index_cast %mul3A_455 : i32 to index
          %get3A_558 = tpu.vector_load %arg10[%get3A_556, %get3A_557] {strides = array<i32>} : memref<10x1024xf32, #tpu.memory_space<vmem>>, vector<16xf32>,
          %mul3A_559 = arith.constant 5.000000e-01 : f32
          %mul3A_560 = vector.broadcast %mul3A_559 : f32 to vector<16xf32>
          %mul3A_561 = arith.mulf %mul3A_560, %get3A_558 : vector<16xf32>
          %add3A_562 = arith.addf %mul3A_550, %mul3A_555 : vector<16xf32>
          %mul3A_563 = arith.mulf %mul3A_561, %add3A_562 : vector<16xf32>
          %get3A_564 = arith.index_cast %mul3A_47 : i32 to index
          %get3A_565 = arith.index_cast %mul3A_455 : i32 to index
          %get3A_566 = tpu.vector_load %arg9[%get3A_564, %get3A_565] {strides = array<i32>} : memref<10x2048xi32, #tpu.memory_space<vmem>>, vector<16xi32>,
          %add3A_567 = arith.constant 1024 : i32
          %add3A_568 = arith.addi %add3A_567, %mul3A_455 : i32
          %get3A_569 = arith.index_cast %mul3A_47 : i32 to index
          %get3A_570 = arith.index_cast %add3A_568 : i32 to index
          %get3A_571 = tpu.vector_load %arg9[%get3A_569, %get3A_570] {strides = array<i32>} : memref<10x2048xi32, #tpu.memory_space<vmem>>, vector<16xi32>,
          tpu.vector_store_idx %arg13[%get3A_566], %mul3A_563 {add = true} : memref<51200xf32, #tpu.memory_space<vmem>>[vector<16xi32>], vector<16xf32>,
          tpu.vector_store_idx %arg13[%get3A_571], %mul3A_563 {add = true} : memref<51200xf32, #tpu.memory_space<vmem>>[vector<16xi32>], vector<16xf32>,
          %scan3A_572 = arith.constant 0 : i32
          scf.yield %scan3A_572 : i32
        }
        %scan3A_74 = arith.constant 16 : i32
        %dma_wait3A_75 = arith.constant 0 : i32
        %dma_wait3A_76 = tpu.memref_slice %arg9[%add3A_51, %dma_wait3A_75] : memref<10x2048xi32, #tpu.memory_space<vmem>> -> memref<1x2048xi32, #tpu.memory_space<vmem>>
        %dma_wait3A_77 = tpu.memref_squeeze %dma_wait3A_76 : memref<1x2048xi32, #tpu.memory_space<vmem>> -> memref<2048xi32, #tpu.memory_space<vmem>>
        %dma_wait3A_78 = arith.constant 0 : i32
        %dma_wait3A_79 = arith.constant 0 : i32
        %dma_wait3A_80 = tpu.memref_slice %arg2[%dma_wait3A_78, %dma_wait3A_79] : memref<50000x8xf32, #tpu.memory_space<hbm>> -> memref<50000x8xf32, #tpu.memory_space<hbm>>
        tpu.wait_indirect_dma semaphore(%arg18 : memref<!tpu.dma_semaphore, #tpu.memory_space<semaphore_mem>>) src(%dma_wait3A_80 : memref<50000x8xf32, #tpu.memory_space<hbm>>) dst(%arg12 : memref<2048x8xf32, #tpu.memory_space<vmem>>)
        %scan3A_81 = arith.constant 0 : i32
        %scan3A_82 = arith.constant 0 : i32
        %scan3A_83 = arith.constant 16 : i32
        %scan3A_84 = arith.addi %scan3A_82, %scan3A_83 : i32
        %scan3A_85 = arith.constant 1 : i32
        %scan3A_86 = scf.for %scan3A_89 = %scan3A_82 to %scan3A_84 step %scan3A_85 iter_args(%scan3A_90 = %scan3A_81) -> (i32)  : i32 {
          %mul3A_91 = arith.constant 4 : i32
          %mul3A_92 = arith.muli %scan3A_89, %mul3A_91 : i32
          %add3A_93 = arith.constant 0 : i32
          %add3A_94 = arith.addi %mul3A_92, %add3A_93 : i32
          %mul3A_95 = arith.constant 16 : i32
          %mul3A_96 = arith.muli %add3A_94, %mul3A_95 : i32
          %iota3A = tpu.iota {dimensions = array<i32: 0>} : vector<16xi32>
          %add3A_97 = vector.broadcast %mul3A_96 : i32 to vector<16xi32>
          %add3A_98 = arith.addi %iota3A, %add3A_97 : vector<16xi32>
          %add3A_99 = arith.constant 1024 : i32
          %add3A_100 = vector.broadcast %add3A_99 : i32 to vector<16xi32>
          %add3A_101 = arith.addi %add3A_98, %add3A_100 : vector<16xi32>
          %broadcast_in_dim3A_102 = arith.constant 0 : i32
          %broadcast_in_dim3A_103 = vector.broadcast %broadcast_in_dim3A_102 : i32 to vector<16xi32>
          %gather3A = tpu.vector_load_idx %arg12[%add3A_98, %broadcast_in_dim3A_103] : memref<2048x8xf32, #tpu.memory_space<vmem>>[vector<16xi32>, vector<16xi32>], vector<16xf32>,
          %broadcast_in_dim3A_104 = arith.constant 1 : i32
          %broadcast_in_dim3A_105 = vector.broadcast %broadcast_in_dim3A_104 : i32 to vector<16xi32>
          %gather3A_106 = tpu.vector_load_idx %arg12[%add3A_98, %broadcast_in_dim3A_105] : memref<2048x8xf32, #tpu.memory_space<vmem>>[vector<16xi32>, vector<16xi32>], vector<16xf32>,
          %broadcast_in_dim3A_107 = arith.constant 2 : i32
          %broadcast_in_dim3A_108 = vector.broadcast %broadcast_in_dim3A_107 : i32 to vector<16xi32>
          %gather3A_109 = tpu.vector_load_idx %arg12[%add3A_98, %broadcast_in_dim3A_108] : memref<2048x8xf32, #tpu.memory_space<vmem>>[vector<16xi32>, vector<16xi32>], vector<16xf32>,
          %broadcast_in_dim3A_110 = arith.constant 0 : i32
          %broadcast_in_dim3A_111 = vector.broadcast %broadcast_in_dim3A_110 : i32 to vector<16xi32>
          %gather3A_112 = tpu.vector_load_idx %arg12[%add3A_101, %broadcast_in_dim3A_111] : memref<2048x8xf32, #tpu.memory_space<vmem>>[vector<16xi32>, vector<16xi32>], vector<16xf32>,
          %broadcast_in_dim3A_113 = arith.constant 1 : i32
          %broadcast_in_dim3A_114 = vector.broadcast %broadcast_in_dim3A_113 : i32 to vector<16xi32>
          %gather3A_115 = tpu.vector_load_idx %arg12[%add3A_101, %broadcast_in_dim3A_114] : memref<2048x8xf32, #tpu.memory_space<vmem>>[vector<16xi32>, vector<16xi32>], vector<16xf32>,
          %broadcast_in_dim3A_116 = arith.constant 2 : i32
          %broadcast_in_dim3A_117 = vector.broadcast %broadcast_in_dim3A_116 : i32 to vector<16xi32>
          %gather3A_118 = tpu.vector_load_idx %arg12[%add3A_101, %broadcast_in_dim3A_117] : memref<2048x8xf32, #tpu.memory_space<vmem>>[vector<16xi32>, vector<16xi32>], vector<16xf32>,
          %broadcast_in_dim3A_119 = arith.constant 3 : i32
          %broadcast_in_dim3A_120 = vector.broadcast %broadcast_in_dim3A_119 : i32 to vector<16xi32>
          %gather3A_121 = tpu.vector_load_idx %arg12[%add3A_98, %broadcast_in_dim3A_120] : memref<2048x8xf32, #tpu.memory_space<vmem>>[vector<16xi32>, vector<16xi32>], vector<16xf32>,
          %broadcast_in_dim3A_122 = arith.constant 3 : i32
          %broadcast_in_dim3A_123 = vector.broadcast %broadcast_in_dim3A_122 : i32 to vector<16xi32>
          %gather3A_124 = tpu.vector_load_idx %arg12[%add3A_101, %broadcast_in_dim3A_123] : memref<2048x8xf32, #tpu.memory_space<vmem>>[vector<16xi32>, vector<16xi32>], vector<16xf32>,
          %broadcast_in_dim3A_125 = arith.constant 4 : i32
          %broadcast_in_dim3A_126 = vector.broadcast %broadcast_in_dim3A_125 : i32 to vector<16xi32>
          %gather3A_127 = tpu.vector_load_idx %arg12[%add3A_98, %broadcast_in_dim3A_126] : memref<2048x8xf32, #tpu.memory_space<vmem>>[vector<16xi32>, vector<16xi32>], vector<16xf32>,
          %convert_element_type3A = arith.fptosi %gather3A_127 : vector<16xf32> to vector<16xi32>
          %broadcast_in_dim3A_128 = arith.constant 4 : i32
          %broadcast_in_dim3A_129 = vector.broadcast %broadcast_in_dim3A_128 : i32 to vector<16xi32>
          %gather3A_130 = tpu.vector_load_idx %arg12[%add3A_101, %broadcast_in_dim3A_129] : memref<2048x8xf32, #tpu.memory_space<vmem>>[vector<16xi32>, vector<16xi32>], vector<16xf32>,
          %convert_element_type3A_131 = arith.fptosi %gather3A_130 : vector<16xf32> to vector<16xi32>
          %sub3A = arith.subf %gather3A_112, %gather3A : vector<16xf32>
          %sub3A_132 = arith.subf %gather3A_115, %gather3A_106 : vector<16xf32>
          %sub3A_133 = arith.subf %gather3A_118, %gather3A_109 : vector<16xf32>
          %mul3A_134 = arith.mulf %sub3A, %sub3A : vector<16xf32>
          %mul3A_135 = arith.mulf %sub3A_132, %sub3A_132 : vector<16xf32>
          %add3A_136 = arith.addf %mul3A_134, %mul3A_135 : vector<16xf32>
          %mul3A_137 = arith.mulf %sub3A_133, %sub3A_133 : vector<16xf32>
          %add3A_138 = arith.addf %add3A_136, %mul3A_137 : vector<16xf32>
          %add3A_139 = arith.constant 9.99999997E-7 : f32
          %add3A_140 = vector.broadcast %add3A_139 : f32 to vector<16xf32>
          %add3A_141 = arith.addf %add3A_138, %add3A_140 : vector<16xf32>
          %bitcast3A = vector.bitcast %add3A_141 : vector<16xf32> to vector<16xi32>
          %shift_right_logical3A = arith.constant 1 : i32
          %shift_right_logical3A_142 = vector.broadcast %shift_right_logical3A : i32 to vector<16xi32>
          %shift_right_logical3A_143 = arith.shrui %bitcast3A, %shift_right_logical3A_142 : vector<16xi32>
          %sub3A_144 = arith.constant 1597463007 : i32
          %sub3A_145 = vector.broadcast %sub3A_144 : i32 to vector<16xi32>
          %sub3A_146 = arith.subi %sub3A_145, %shift_right_logical3A_143 : vector<16xi32>
          %bitcast3A_147 = vector.bitcast %sub3A_146 : vector<16xi32> to vector<16xf32>
          %mul3A_148 = arith.constant 5.000000e-01 : f32
          %mul3A_149 = vector.broadcast %mul3A_148 : f32 to vector<16xf32>
          %mul3A_150 = arith.mulf %mul3A_149, %add3A_141 : vector<16xf32>
          %mul3A_151 = arith.mulf %mul3A_150, %bitcast3A_147 : vector<16xf32>
          %mul3A_152 = arith.mulf %mul3A_151, %bitcast3A_147 : vector<16xf32>
          %sub3A_153 = arith.constant 1.500000e+00 : f32
          %sub3A_154 = vector.broadcast %sub3A_153 : f32 to vector<16xf32>
          %sub3A_155 = arith.subf %sub3A_154, %mul3A_152 : vector<16xf32>
          %mul3A_156 = arith.mulf %bitcast3A_147, %sub3A_155 : vector<16xf32>
          %mul3A_157 = arith.mulf %mul3A_150, %mul3A_156 : vector<16xf32>
          %mul3A_158 = arith.mulf %mul3A_157, %mul3A_156 : vector<16xf32>
          %sub3A_159 = arith.constant 1.500000e+00 : f32
          %sub3A_160 = vector.broadcast %sub3A_159 : f32 to vector<16xf32>
          %sub3A_161 = arith.subf %sub3A_160, %mul3A_158 : vector<16xf32>
          %mul3A_162 = arith.mulf %mul3A_156, %sub3A_161 : vector<16xf32>
          %mul3A_163 = arith.mulf %mul3A_150, %mul3A_162 : vector<16xf32>
          %mul3A_164 = arith.mulf %mul3A_163, %mul3A_162 : vector<16xf32>
          %sub3A_165 = arith.constant 1.500000e+00 : f32
          %sub3A_166 = vector.broadcast %sub3A_165 : f32 to vector<16xf32>
          %sub3A_167 = arith.subf %sub3A_166, %mul3A_164 : vector<16xf32>
          %mul3A_168 = arith.mulf %mul3A_162, %sub3A_167 : vector<16xf32>
          %mul3A_169 = arith.constant 16 : i32
          %mul3A_170 = vector.broadcast %mul3A_169 : i32 to vector<16xi32>
          %mul3A_171 = arith.muli %convert_element_type3A, %mul3A_170 : vector<16xi32>
          %add3A_172 = arith.addi %mul3A_171, %convert_element_type3A_131 : vector<16xi32>
          %gather3A_173 = tpu.vector_load_idx %arg14[%add3A_172] : memref<256xf32, #tpu.memory_space<vmem>>[vector<16xi32>], vector<16xf32>,
          %gather3A_174 = tpu.vector_load_idx %arg15[%add3A_172] : memref<256xf32, #tpu.memory_space<vmem>>[vector<16xi32>], vector<16xf32>,
          %mul3A_175 = arith.mulf %mul3A_168, %mul3A_168 : vector<16xf32>
          %mul3A_176 = arith.mulf %gather3A_174, %gather3A_174 : vector<16xf32>
          %mul3A_177 = arith.mulf %mul3A_176, %mul3A_175 : vector<16xf32>
          %mul3A_178 = arith.mulf %mul3A_177, %mul3A_177 : vector<16xf32>
          %mul3A_179 = arith.mulf %mul3A_178, %mul3A_177 : vector<16xf32>
          %mul3A_180 = arith.constant 4.000000e+00 : f32
          %mul3A_181 = vector.broadcast %mul3A_180 : f32 to vector<16xf32>
          %mul3A_182 = arith.mulf %mul3A_181, %gather3A_173 : vector<16xf32>
          %mul3A_183 = arith.mulf %mul3A_179, %mul3A_179 : vector<16xf32>
          %sub3A_184 = arith.subf %mul3A_183, %mul3A_179 : vector<16xf32>
          %mul3A_185 = arith.mulf %mul3A_182, %sub3A_184 : vector<16xf32>
          %mul3A_186 = arith.constant 332.073181 : f32
          %mul3A_187 = vector.broadcast %mul3A_186 : f32 to vector<16xf32>
          %mul3A_188 = arith.mulf %mul3A_187, %gather3A_121 : vector<16xf32>
          %mul3A_189 = arith.mulf %mul3A_188, %gather3A_124 : vector<16xf32>
          %mul3A_190 = arith.mulf %mul3A_189, %mul3A_168 : vector<16xf32>
          %get3A = arith.index_cast %add3A_51 : i32 to index
          %get3A_191 = arith.index_cast %mul3A_96 : i32 to index
          %get3A_192 = tpu.vector_load %arg10[%get3A, %get3A_191] {strides = array<i32>} : memref<10x1024xf32, #tpu.memory_space<vmem>>, vector<16xf32>,
          %mul3A_193 = arith.constant 5.000000e-01 : f32
          %mul3A_194 = vector.broadcast %mul3A_193 : f32 to vector<16xf32>
          %mul3A_195 = arith.mulf %mul3A_194, %get3A_192 : vector<16xf32>
          %add3A_196 = arith.addf %mul3A_185, %mul3A_190 : vector<16xf32>
          %mul3A_197 = arith.mulf %mul3A_195, %add3A_196 : vector<16xf32>
          %get3A_198 = arith.index_cast %add3A_51 : i32 to index
          %get3A_199 = arith.index_cast %mul3A_96 : i32 to index
          %get3A_200 = tpu.vector_load %arg9[%get3A_198, %get3A_199] {strides = array<i32>} : memref<10x2048xi32, #tpu.memory_space<vmem>>, vector<16xi32>,
          %add3A_201 = arith.constant 1024 : i32
          %add3A_202 = arith.addi %add3A_201, %mul3A_96 : i32
          %get3A_203 = arith.index_cast %add3A_51 : i32 to index
          %get3A_204 = arith.index_cast %add3A_202 : i32 to index
          %get3A_205 = tpu.vector_load %arg9[%get3A_203, %get3A_204] {strides = array<i32>} : memref<10x2048xi32, #tpu.memory_space<vmem>>, vector<16xi32>,
          tpu.vector_store_idx %arg13[%get3A_200], %mul3A_197 {add = true} : memref<51200xf32, #tpu.memory_space<vmem>>[vector<16xi32>], vector<16xf32>,
          tpu.vector_store_idx %arg13[%get3A_205], %mul3A_197 {add = true} : memref<51200xf32, #tpu.memory_space<vmem>>[vector<16xi32>], vector<16xf32>,
          %mul3A_206 = arith.constant 4 : i32
          %mul3A_207 = arith.muli %scan3A_89, %mul3A_206 : i32
          %add3A_208 = arith.constant 1 : i32
          %add3A_209 = arith.addi %mul3A_207, %add3A_208 : i32
          %mul3A_210 = arith.constant 16 : i32
          %mul3A_211 = arith.muli %add3A_209, %mul3A_210 : i32
          %iota3A_212 = tpu.iota {dimensions = array<i32: 0>} : vector<16xi32>
          %add3A_213 = vector.broadcast %mul3A_211 : i32 to vector<16xi32>
          %add3A_214 = arith.addi %iota3A_212, %add3A_213 : vector<16xi32>
          %add3A_215 = arith.constant 1024 : i32
          %add3A_216 = vector.broadcast %add3A_215 : i32 to vector<16xi32>
          %add3A_217 = arith.addi %add3A_214, %add3A_216 : vector<16xi32>
          %broadcast_in_dim3A_218 = arith.constant 0 : i32
          %broadcast_in_dim3A_219 = vector.broadcast %broadcast_in_dim3A_218 : i32 to vector<16xi32>
          %gather3A_220 = tpu.vector_load_idx %arg12[%add3A_214, %broadcast_in_dim3A_219] : memref<2048x8xf32, #tpu.memory_space<vmem>>[vector<16xi32>, vector<16xi32>], vector<16xf32>,
          %broadcast_in_dim3A_221 = arith.constant 1 : i32
          %broadcast_in_dim3A_222 = vector.broadcast %broadcast_in_dim3A_221 : i32 to vector<16xi32>
          %gather3A_223 = tpu.vector_load_idx %arg12[%add3A_214, %broadcast_in_dim3A_222] : memref<2048x8xf32, #tpu.memory_space<vmem>>[vector<16xi32>, vector<16xi32>], vector<16xf32>,
          %broadcast_in_dim3A_224 = arith.constant 2 : i32
          %broadcast_in_dim3A_225 = vector.broadcast %broadcast_in_dim3A_224 : i32 to vector<16xi32>
          %gather3A_226 = tpu.vector_load_idx %arg12[%add3A_214, %broadcast_in_dim3A_225] : memref<2048x8xf32, #tpu.memory_space<vmem>>[vector<16xi32>, vector<16xi32>], vector<16xf32>,
          %broadcast_in_dim3A_227 = arith.constant 0 : i32
          %broadcast_in_dim3A_228 = vector.broadcast %broadcast_in_dim3A_227 : i32 to vector<16xi32>
          %gather3A_229 = tpu.vector_load_idx %arg12[%add3A_217, %broadcast_in_dim3A_228] : memref<2048x8xf32, #tpu.memory_space<vmem>>[vector<16xi32>, vector<16xi32>], vector<16xf32>,
          %broadcast_in_dim3A_230 = arith.constant 1 : i32
          %broadcast_in_dim3A_231 = vector.broadcast %broadcast_in_dim3A_230 : i32 to vector<16xi32>
          %gather3A_232 = tpu.vector_load_idx %arg12[%add3A_217, %broadcast_in_dim3A_231] : memref<2048x8xf32, #tpu.memory_space<vmem>>[vector<16xi32>, vector<16xi32>], vector<16xf32>,
          %broadcast_in_dim3A_233 = arith.constant 2 : i32
          %broadcast_in_dim3A_234 = vector.broadcast %broadcast_in_dim3A_233 : i32 to vector<16xi32>
          %gather3A_235 = tpu.vector_load_idx %arg12[%add3A_217, %broadcast_in_dim3A_234] : memref<2048x8xf32, #tpu.memory_space<vmem>>[vector<16xi32>, vector<16xi32>], vector<16xf32>,
          %broadcast_in_dim3A_236 = arith.constant 3 : i32
          %broadcast_in_dim3A_237 = vector.broadcast %broadcast_in_dim3A_236 : i32 to vector<16xi32>
          %gather3A_238 = tpu.vector_load_idx %arg12[%add3A_214, %broadcast_in_dim3A_237] : memref<2048x8xf32, #tpu.memory_space<vmem>>[vector<16xi32>, vector<16xi32>], vector<16xf32>,
          %broadcast_in_dim3A_239 = arith.constant 3 : i32
          %broadcast_in_dim3A_240 = vector.broadcast %broadcast_in_dim3A_239 : i32 to vector<16xi32>
          %gather3A_241 = tpu.vector_load_idx %arg12[%add3A_217, %broadcast_in_dim3A_240] : memref<2048x8xf32, #tpu.memory_space<vmem>>[vector<16xi32>, vector<16xi32>], vector<16xf32>,
          %broadcast_in_dim3A_242 = arith.constant 4 : i32
          %broadcast_in_dim3A_243 = vector.broadcast %broadcast_in_dim3A_242 : i32 to vector<16xi32>
          %gather3A_244 = tpu.vector_load_idx %arg12[%add3A_214, %broadcast_in_dim3A_243] : memref<2048x8xf32, #tpu.memory_space<vmem>>[vector<16xi32>, vector<16xi32>], vector<16xf32>,
          %convert_element_type3A_245 = arith.fptosi %gather3A_244 : vector<16xf32> to vector<16xi32>
          %broadcast_in_dim3A_246 = arith.constant 4 : i32
          %broadcast_in_dim3A_247 = vector.broadcast %broadcast_in_dim3A_246 : i32 to vector<16xi32>
          %gather3A_248 = tpu.vector_load_idx %arg12[%add3A_217, %broadcast_in_dim3A_247] : memref<2048x8xf32, #tpu.memory_space<vmem>>[vector<16xi32>, vector<16xi32>], vector<16xf32>,
          %convert_element_type3A_249 = arith.fptosi %gather3A_248 : vector<16xf32> to vector<16xi32>
          %sub3A_250 = arith.subf %gather3A_229, %gather3A_220 : vector<16xf32>
          %sub3A_251 = arith.subf %gather3A_232, %gather3A_223 : vector<16xf32>
          %sub3A_252 = arith.subf %gather3A_235, %gather3A_226 : vector<16xf32>
          %mul3A_253 = arith.mulf %sub3A_250, %sub3A_250 : vector<16xf32>
          %mul3A_254 = arith.mulf %sub3A_251, %sub3A_251 : vector<16xf32>
          %add3A_255 = arith.addf %mul3A_253, %mul3A_254 : vector<16xf32>
          %mul3A_256 = arith.mulf %sub3A_252, %sub3A_252 : vector<16xf32>
          %add3A_257 = arith.addf %add3A_255, %mul3A_256 : vector<16xf32>
          %add3A_258 = arith.constant 9.99999997E-7 : f32
          %add3A_259 = vector.broadcast %add3A_258 : f32 to vector<16xf32>
          %add3A_260 = arith.addf %add3A_257, %add3A_259 : vector<16xf32>
          %bitcast3A_261 = vector.bitcast %add3A_260 : vector<16xf32> to vector<16xi32>
          %shift_right_logical3A_262 = arith.constant 1 : i32
          %shift_right_logical3A_263 = vector.broadcast %shift_right_logical3A_262 : i32 to vector<16xi32>
          %shift_right_logical3A_264 = arith.shrui %bitcast3A_261, %shift_right_logical3A_263 : vector<16xi32>
          %sub3A_265 = arith.constant 1597463007 : i32
          %sub3A_266 = vector.broadcast %sub3A_265 : i32 to vector<16xi32>
          %sub3A_267 = arith.subi %sub3A_266, %shift_right_logical3A_264 : vector<16xi32>
          %bitcast3A_268 = vector.bitcast %sub3A_267 : vector<16xi32> to vector<16xf32>
          %mul3A_269 = arith.constant 5.000000e-01 : f32
          %mul3A_270 = vector.broadcast %mul3A_269 : f32 to vector<16xf32>
          %mul3A_271 = arith.mulf %mul3A_270, %add3A_260 : vector<16xf32>
          %mul3A_272 = arith.mulf %mul3A_271, %bitcast3A_268 : vector<16xf32>
          %mul3A_273 = arith.mulf %mul3A_272, %bitcast3A_268 : vector<16xf32>
          %sub3A_274 = arith.constant 1.500000e+00 : f32
          %sub3A_275 = vector.broadcast %sub3A_274 : f32 to vector<16xf32>
          %sub3A_276 = arith.subf %sub3A_275, %mul3A_273 : vector<16xf32>
          %mul3A_277 = arith.mulf %bitcast3A_268, %sub3A_276 : vector<16xf32>
          %mul3A_278 = arith.mulf %mul3A_271, %mul3A_277 : vector<16xf32>
          %mul3A_279 = arith.mulf %mul3A_278, %mul3A_277 : vector<16xf32>
          %sub3A_280 = arith.constant 1.500000e+00 : f32
          %sub3A_281 = vector.broadcast %sub3A_280 : f32 to vector<16xf32>
          %sub3A_282 = arith.subf %sub3A_281, %mul3A_279 : vector<16xf32>
          %mul3A_283 = arith.mulf %mul3A_277, %sub3A_282 : vector<16xf32>
          %mul3A_284 = arith.mulf %mul3A_271, %mul3A_283 : vector<16xf32>
          %mul3A_285 = arith.mulf %mul3A_284, %mul3A_283 : vector<16xf32>
          %sub3A_286 = arith.constant 1.500000e+00 : f32
          %sub3A_287 = vector.broadcast %sub3A_286 : f32 to vector<16xf32>
          %sub3A_288 = arith.subf %sub3A_287, %mul3A_285 : vector<16xf32>
          %mul3A_289 = arith.mulf %mul3A_283, %sub3A_288 : vector<16xf32>
          %mul3A_290 = arith.constant 16 : i32
          %mul3A_291 = vector.broadcast %mul3A_290 : i32 to vector<16xi32>
          %mul3A_292 = arith.muli %convert_element_type3A_245, %mul3A_291 : vector<16xi32>
          %add3A_293 = arith.addi %mul3A_292, %convert_element_type3A_249 : vector<16xi32>
          %gather3A_294 = tpu.vector_load_idx %arg14[%add3A_293] : memref<256xf32, #tpu.memory_space<vmem>>[vector<16xi32>], vector<16xf32>,
          %gather3A_295 = tpu.vector_load_idx %arg15[%add3A_293] : memref<256xf32, #tpu.memory_space<vmem>>[vector<16xi32>], vector<16xf32>,
          %mul3A_296 = arith.mulf %mul3A_289, %mul3A_289 : vector<16xf32>
          %mul3A_297 = arith.mulf %gather3A_295, %gather3A_295 : vector<16xf32>
          %mul3A_298 = arith.mulf %mul3A_297, %mul3A_296 : vector<16xf32>
          %mul3A_299 = arith.mulf %mul3A_298, %mul3A_298 : vector<16xf32>
          %mul3A_300 = arith.mulf %mul3A_299, %mul3A_298 : vector<16xf32>
          %mul3A_301 = arith.constant 4.000000e+00 : f32
          %mul3A_302 = vector.broadcast %mul3A_301 : f32 to vector<16xf32>
          %mul3A_303 = arith.mulf %mul3A_302, %gather3A_294 : vector<16xf32>
          %mul3A_304 = arith.mulf %mul3A_300, %mul3A_300 : vector<16xf32>
          %sub3A_305 = arith.subf %mul3A_304, %mul3A_300 : vector<16xf32>
          %mul3A_306 = arith.mulf %mul3A_303, %sub3A_305 : vector<16xf32>
          %mul3A_307 = arith.constant 332.073181 : f32
          %mul3A_308 = vector.broadcast %mul3A_307 : f32 to vector<16xf32>
          %mul3A_309 = arith.mulf %mul3A_308, %gather3A_238 : vector<16xf32>
          %mul3A_310 = arith.mulf %mul3A_309, %gather3A_241 : vector<16xf32>
          %mul3A_311 = arith.mulf %mul3A_310, %mul3A_289 : vector<16xf32>
          %get3A_312 = arith.index_cast %add3A_51 : i32 to index
          %get3A_313 = arith.index_cast %mul3A_211 : i32 to index
          %get3A_314 = tpu.vector_load %arg10[%get3A_312, %get3A_313] {strides = array<i32>} : memref<10x1024xf32, #tpu.memory_space<vmem>>, vector<16xf32>,
          %mul3A_315 = arith.constant 5.000000e-01 : f32
          %mul3A_316 = vector.broadcast %mul3A_315 : f32 to vector<16xf32>
          %mul3A_317 = arith.mulf %mul3A_316, %get3A_314 : vector<16xf32>
          %add3A_318 = arith.addf %mul3A_306, %mul3A_311 : vector<16xf32>
          %mul3A_319 = arith.mulf %mul3A_317, %add3A_318 : vector<16xf32>
          %get3A_320 = arith.index_cast %add3A_51 : i32 to index
          %get3A_321 = arith.index_cast %mul3A_211 : i32 to index
          %get3A_322 = tpu.vector_load %arg9[%get3A_320, %get3A_321] {strides = array<i32>} : memref<10x2048xi32, #tpu.memory_space<vmem>>, vector<16xi32>,
          %add3A_323 = arith.constant 1024 : i32
          %add3A_324 = arith.addi %add3A_323, %mul3A_211 : i32
          %get3A_325 = arith.index_cast %add3A_51 : i32 to index
          %get3A_326 = arith.index_cast %add3A_324 : i32 to index
          %get3A_327 = tpu.vector_load %arg9[%get3A_325, %get3A_326] {strides = array<i32>} : memref<10x2048xi32, #tpu.memory_space<vmem>>, vector<16xi32>,
          tpu.vector_store_idx %arg13[%get3A_322], %mul3A_319 {add = true} : memref<51200xf32, #tpu.memory_space<vmem>>[vector<16xi32>], vector<16xf32>,
          tpu.vector_store_idx %arg13[%get3A_327], %mul3A_319 {add = true} : memref<51200xf32, #tpu.memory_space<vmem>>[vector<16xi32>], vector<16xf32>,
          %mul3A_328 = arith.constant 4 : i32
          %mul3A_329 = arith.muli %scan3A_89, %mul3A_328 : i32
          %add3A_330 = arith.constant 2 : i32
          %add3A_331 = arith.addi %mul3A_329, %add3A_330 : i32
          %mul3A_332 = arith.constant 16 : i32
          %mul3A_333 = arith.muli %add3A_331, %mul3A_332 : i32
          %iota3A_334 = tpu.iota {dimensions = array<i32: 0>} : vector<16xi32>
          %add3A_335 = vector.broadcast %mul3A_333 : i32 to vector<16xi32>
          %add3A_336 = arith.addi %iota3A_334, %add3A_335 : vector<16xi32>
          %add3A_337 = arith.constant 1024 : i32
          %add3A_338 = vector.broadcast %add3A_337 : i32 to vector<16xi32>
          %add3A_339 = arith.addi %add3A_336, %add3A_338 : vector<16xi32>
          %broadcast_in_dim3A_340 = arith.constant 0 : i32
          %broadcast_in_dim3A_341 = vector.broadcast %broadcast_in_dim3A_340 : i32 to vector<16xi32>
          %gather3A_342 = tpu.vector_load_idx %arg12[%add3A_336, %broadcast_in_dim3A_341] : memref<2048x8xf32, #tpu.memory_space<vmem>>[vector<16xi32>, vector<16xi32>], vector<16xf32>,
          %broadcast_in_dim3A_343 = arith.constant 1 : i32
          %broadcast_in_dim3A_344 = vector.broadcast %broadcast_in_dim3A_343 : i32 to vector<16xi32>
          %gather3A_345 = tpu.vector_load_idx %arg12[%add3A_336, %broadcast_in_dim3A_344] : memref<2048x8xf32, #tpu.memory_space<vmem>>[vector<16xi32>, vector<16xi32>], vector<16xf32>,
          %broadcast_in_dim3A_346 = arith.constant 2 : i32
          %broadcast_in_dim3A_347 = vector.broadcast %broadcast_in_dim3A_346 : i32 to vector<16xi32>
          %gather3A_348 = tpu.vector_load_idx %arg12[%add3A_336, %broadcast_in_dim3A_347] : memref<2048x8xf32, #tpu.memory_space<vmem>>[vector<16xi32>, vector<16xi32>], vector<16xf32>,
          %broadcast_in_dim3A_349 = arith.constant 0 : i32
          %broadcast_in_dim3A_350 = vector.broadcast %broadcast_in_dim3A_349 : i32 to vector<16xi32>
          %gather3A_351 = tpu.vector_load_idx %arg12[%add3A_339, %broadcast_in_dim3A_350] : memref<2048x8xf32, #tpu.memory_space<vmem>>[vector<16xi32>, vector<16xi32>], vector<16xf32>,
          %broadcast_in_dim3A_352 = arith.constant 1 : i32
          %broadcast_in_dim3A_353 = vector.broadcast %broadcast_in_dim3A_352 : i32 to vector<16xi32>
          %gather3A_354 = tpu.vector_load_idx %arg12[%add3A_339, %broadcast_in_dim3A_353] : memref<2048x8xf32, #tpu.memory_space<vmem>>[vector<16xi32>, vector<16xi32>], vector<16xf32>,
          %broadcast_in_dim3A_355 = arith.constant 2 : i32
          %broadcast_in_dim3A_356 = vector.broadcast %broadcast_in_dim3A_355 : i32 to vector<16xi32>
          %gather3A_357 = tpu.vector_load_idx %arg12[%add3A_339, %broadcast_in_dim3A_356] : memref<2048x8xf32, #tpu.memory_space<vmem>>[vector<16xi32>, vector<16xi32>], vector<16xf32>,
          %broadcast_in_dim3A_358 = arith.constant 3 : i32
          %broadcast_in_dim3A_359 = vector.broadcast %broadcast_in_dim3A_358 : i32 to vector<16xi32>
          %gather3A_360 = tpu.vector_load_idx %arg12[%add3A_336, %broadcast_in_dim3A_359] : memref<2048x8xf32, #tpu.memory_space<vmem>>[vector<16xi32>, vector<16xi32>], vector<16xf32>,
          %broadcast_in_dim3A_361 = arith.constant 3 : i32
          %broadcast_in_dim3A_362 = vector.broadcast %broadcast_in_dim3A_361 : i32 to vector<16xi32>
          %gather3A_363 = tpu.vector_load_idx %arg12[%add3A_339, %broadcast_in_dim3A_362] : memref<2048x8xf32, #tpu.memory_space<vmem>>[vector<16xi32>, vector<16xi32>], vector<16xf32>,
          %broadcast_in_dim3A_364 = arith.constant 4 : i32
          %broadcast_in_dim3A_365 = vector.broadcast %broadcast_in_dim3A_364 : i32 to vector<16xi32>
          %gather3A_366 = tpu.vector_load_idx %arg12[%add3A_336, %broadcast_in_dim3A_365] : memref<2048x8xf32, #tpu.memory_space<vmem>>[vector<16xi32>, vector<16xi32>], vector<16xf32>,
          %convert_element_type3A_367 = arith.fptosi %gather3A_366 : vector<16xf32> to vector<16xi32>
          %broadcast_in_dim3A_368 = arith.constant 4 : i32
          %broadcast_in_dim3A_369 = vector.broadcast %broadcast_in_dim3A_368 : i32 to vector<16xi32>
          %gather3A_370 = tpu.vector_load_idx %arg12[%add3A_339, %broadcast_in_dim3A_369] : memref<2048x8xf32, #tpu.memory_space<vmem>>[vector<16xi32>, vector<16xi32>], vector<16xf32>,
          %convert_element_type3A_371 = arith.fptosi %gather3A_370 : vector<16xf32> to vector<16xi32>
          %sub3A_372 = arith.subf %gather3A_351, %gather3A_342 : vector<16xf32>
          %sub3A_373 = arith.subf %gather3A_354, %gather3A_345 : vector<16xf32>
          %sub3A_374 = arith.subf %gather3A_357, %gather3A_348 : vector<16xf32>
          %mul3A_375 = arith.mulf %sub3A_372, %sub3A_372 : vector<16xf32>
          %mul3A_376 = arith.mulf %sub3A_373, %sub3A_373 : vector<16xf32>
          %add3A_377 = arith.addf %mul3A_375, %mul3A_376 : vector<16xf32>
          %mul3A_378 = arith.mulf %sub3A_374, %sub3A_374 : vector<16xf32>
          %add3A_379 = arith.addf %add3A_377, %mul3A_378 : vector<16xf32>
          %add3A_380 = arith.constant 9.99999997E-7 : f32
          %add3A_381 = vector.broadcast %add3A_380 : f32 to vector<16xf32>
          %add3A_382 = arith.addf %add3A_379, %add3A_381 : vector<16xf32>
          %bitcast3A_383 = vector.bitcast %add3A_382 : vector<16xf32> to vector<16xi32>
          %shift_right_logical3A_384 = arith.constant 1 : i32
          %shift_right_logical3A_385 = vector.broadcast %shift_right_logical3A_384 : i32 to vector<16xi32>
          %shift_right_logical3A_386 = arith.shrui %bitcast3A_383, %shift_right_logical3A_385 : vector<16xi32>
          %sub3A_387 = arith.constant 1597463007 : i32
          %sub3A_388 = vector.broadcast %sub3A_387 : i32 to vector<16xi32>
          %sub3A_389 = arith.subi %sub3A_388, %shift_right_logical3A_386 : vector<16xi32>
          %bitcast3A_390 = vector.bitcast %sub3A_389 : vector<16xi32> to vector<16xf32>
          %mul3A_391 = arith.constant 5.000000e-01 : f32
          %mul3A_392 = vector.broadcast %mul3A_391 : f32 to vector<16xf32>
          %mul3A_393 = arith.mulf %mul3A_392, %add3A_382 : vector<16xf32>
          %mul3A_394 = arith.mulf %mul3A_393, %bitcast3A_390 : vector<16xf32>
          %mul3A_395 = arith.mulf %mul3A_394, %bitcast3A_390 : vector<16xf32>
          %sub3A_396 = arith.constant 1.500000e+00 : f32
          %sub3A_397 = vector.broadcast %sub3A_396 : f32 to vector<16xf32>
          %sub3A_398 = arith.subf %sub3A_397, %mul3A_395 : vector<16xf32>
          %mul3A_399 = arith.mulf %bitcast3A_390, %sub3A_398 : vector<16xf32>
          %mul3A_400 = arith.mulf %mul3A_393, %mul3A_399 : vector<16xf32>
          %mul3A_401 = arith.mulf %mul3A_400, %mul3A_399 : vector<16xf32>
          %sub3A_402 = arith.constant 1.500000e+00 : f32
          %sub3A_403 = vector.broadcast %sub3A_402 : f32 to vector<16xf32>
          %sub3A_404 = arith.subf %sub3A_403, %mul3A_401 : vector<16xf32>
          %mul3A_405 = arith.mulf %mul3A_399, %sub3A_404 : vector<16xf32>
          %mul3A_406 = arith.mulf %mul3A_393, %mul3A_405 : vector<16xf32>
          %mul3A_407 = arith.mulf %mul3A_406, %mul3A_405 : vector<16xf32>
          %sub3A_408 = arith.constant 1.500000e+00 : f32
          %sub3A_409 = vector.broadcast %sub3A_408 : f32 to vector<16xf32>
          %sub3A_410 = arith.subf %sub3A_409, %mul3A_407 : vector<16xf32>
          %mul3A_411 = arith.mulf %mul3A_405, %sub3A_410 : vector<16xf32>
          %mul3A_412 = arith.constant 16 : i32
          %mul3A_413 = vector.broadcast %mul3A_412 : i32 to vector<16xi32>
          %mul3A_414 = arith.muli %convert_element_type3A_367, %mul3A_413 : vector<16xi32>
          %add3A_415 = arith.addi %mul3A_414, %convert_element_type3A_371 : vector<16xi32>
          %gather3A_416 = tpu.vector_load_idx %arg14[%add3A_415] : memref<256xf32, #tpu.memory_space<vmem>>[vector<16xi32>], vector<16xf32>,
          %gather3A_417 = tpu.vector_load_idx %arg15[%add3A_415] : memref<256xf32, #tpu.memory_space<vmem>>[vector<16xi32>], vector<16xf32>,
          %mul3A_418 = arith.mulf %mul3A_411, %mul3A_411 : vector<16xf32>
          %mul3A_419 = arith.mulf %gather3A_417, %gather3A_417 : vector<16xf32>
          %mul3A_420 = arith.mulf %mul3A_419, %mul3A_418 : vector<16xf32>
          %mul3A_421 = arith.mulf %mul3A_420, %mul3A_420 : vector<16xf32>
          %mul3A_422 = arith.mulf %mul3A_421, %mul3A_420 : vector<16xf32>
          %mul3A_423 = arith.constant 4.000000e+00 : f32
          %mul3A_424 = vector.broadcast %mul3A_423 : f32 to vector<16xf32>
          %mul3A_425 = arith.mulf %mul3A_424, %gather3A_416 : vector<16xf32>
          %mul3A_426 = arith.mulf %mul3A_422, %mul3A_422 : vector<16xf32>
          %sub3A_427 = arith.subf %mul3A_426, %mul3A_422 : vector<16xf32>
          %mul3A_428 = arith.mulf %mul3A_425, %sub3A_427 : vector<16xf32>
          %mul3A_429 = arith.constant 332.073181 : f32
          %mul3A_430 = vector.broadcast %mul3A_429 : f32 to vector<16xf32>
          %mul3A_431 = arith.mulf %mul3A_430, %gather3A_360 : vector<16xf32>
          %mul3A_432 = arith.mulf %mul3A_431, %gather3A_363 : vector<16xf32>
          %mul3A_433 = arith.mulf %mul3A_432, %mul3A_411 : vector<16xf32>
          %get3A_434 = arith.index_cast %add3A_51 : i32 to index
          %get3A_435 = arith.index_cast %mul3A_333 : i32 to index
          %get3A_436 = tpu.vector_load %arg10[%get3A_434, %get3A_435] {strides = array<i32>} : memref<10x1024xf32, #tpu.memory_space<vmem>>, vector<16xf32>,
          %mul3A_437 = arith.constant 5.000000e-01 : f32
          %mul3A_438 = vector.broadcast %mul3A_437 : f32 to vector<16xf32>
          %mul3A_439 = arith.mulf %mul3A_438, %get3A_436 : vector<16xf32>
          %add3A_440 = arith.addf %mul3A_428, %mul3A_433 : vector<16xf32>
          %mul3A_441 = arith.mulf %mul3A_439, %add3A_440 : vector<16xf32>
          %get3A_442 = arith.index_cast %add3A_51 : i32 to index
          %get3A_443 = arith.index_cast %mul3A_333 : i32 to index
          %get3A_444 = tpu.vector_load %arg9[%get3A_442, %get3A_443] {strides = array<i32>} : memref<10x2048xi32, #tpu.memory_space<vmem>>, vector<16xi32>,
          %add3A_445 = arith.constant 1024 : i32
          %add3A_446 = arith.addi %add3A_445, %mul3A_333 : i32
          %get3A_447 = arith.index_cast %add3A_51 : i32 to index
          %get3A_448 = arith.index_cast %add3A_446 : i32 to index
          %get3A_449 = tpu.vector_load %arg9[%get3A_447, %get3A_448] {strides = array<i32>} : memref<10x2048xi32, #tpu.memory_space<vmem>>, vector<16xi32>,
          tpu.vector_store_idx %arg13[%get3A_444], %mul3A_441 {add = true} : memref<51200xf32, #tpu.memory_space<vmem>>[vector<16xi32>], vector<16xf32>,
          tpu.vector_store_idx %arg13[%get3A_449], %mul3A_441 {add = true} : memref<51200xf32, #tpu.memory_space<vmem>>[vector<16xi32>], vector<16xf32>,
          %mul3A_450 = arith.constant 4 : i32
          %mul3A_451 = arith.muli %scan3A_89, %mul3A_450 : i32
          %add3A_452 = arith.constant 3 : i32
          %add3A_453 = arith.addi %mul3A_451, %add3A_452 : i32
          %mul3A_454 = arith.constant 16 : i32
          %mul3A_455 = arith.muli %add3A_453, %mul3A_454 : i32
          %iota3A_456 = tpu.iota {dimensions = array<i32: 0>} : vector<16xi32>
          %add3A_457 = vector.broadcast %mul3A_455 : i32 to vector<16xi32>
          %add3A_458 = arith.addi %iota3A_456, %add3A_457 : vector<16xi32>
          %add3A_459 = arith.constant 1024 : i32
          %add3A_460 = vector.broadcast %add3A_459 : i32 to vector<16xi32>
          %add3A_461 = arith.addi %add3A_458, %add3A_460 : vector<16xi32>
          %broadcast_in_dim3A_462 = arith.constant 0 : i32
          %broadcast_in_dim3A_463 = vector.broadcast %broadcast_in_dim3A_462 : i32 to vector<16xi32>
          %gather3A_464 = tpu.vector_load_idx %arg12[%add3A_458, %broadcast_in_dim3A_463] : memref<2048x8xf32, #tpu.memory_space<vmem>>[vector<16xi32>, vector<16xi32>], vector<16xf32>,
          %broadcast_in_dim3A_465 = arith.constant 1 : i32
          %broadcast_in_dim3A_466 = vector.broadcast %broadcast_in_dim3A_465 : i32 to vector<16xi32>
          %gather3A_467 = tpu.vector_load_idx %arg12[%add3A_458, %broadcast_in_dim3A_466] : memref<2048x8xf32, #tpu.memory_space<vmem>>[vector<16xi32>, vector<16xi32>], vector<16xf32>,
          %broadcast_in_dim3A_468 = arith.constant 2 : i32
          %broadcast_in_dim3A_469 = vector.broadcast %broadcast_in_dim3A_468 : i32 to vector<16xi32>
          %gather3A_470 = tpu.vector_load_idx %arg12[%add3A_458, %broadcast_in_dim3A_469] : memref<2048x8xf32, #tpu.memory_space<vmem>>[vector<16xi32>, vector<16xi32>], vector<16xf32>,
          %broadcast_in_dim3A_471 = arith.constant 0 : i32
          %broadcast_in_dim3A_472 = vector.broadcast %broadcast_in_dim3A_471 : i32 to vector<16xi32>
          %gather3A_473 = tpu.vector_load_idx %arg12[%add3A_461, %broadcast_in_dim3A_472] : memref<2048x8xf32, #tpu.memory_space<vmem>>[vector<16xi32>, vector<16xi32>], vector<16xf32>,
          %broadcast_in_dim3A_474 = arith.constant 1 : i32
          %broadcast_in_dim3A_475 = vector.broadcast %broadcast_in_dim3A_474 : i32 to vector<16xi32>
          %gather3A_476 = tpu.vector_load_idx %arg12[%add3A_461, %broadcast_in_dim3A_475] : memref<2048x8xf32, #tpu.memory_space<vmem>>[vector<16xi32>, vector<16xi32>], vector<16xf32>,
          %broadcast_in_dim3A_477 = arith.constant 2 : i32
          %broadcast_in_dim3A_478 = vector.broadcast %broadcast_in_dim3A_477 : i32 to vector<16xi32>
          %gather3A_479 = tpu.vector_load_idx %arg12[%add3A_461, %broadcast_in_dim3A_478] : memref<2048x8xf32, #tpu.memory_space<vmem>>[vector<16xi32>, vector<16xi32>], vector<16xf32>,
          %broadcast_in_dim3A_480 = arith.constant 3 : i32
          %broadcast_in_dim3A_481 = vector.broadcast %broadcast_in_dim3A_480 : i32 to vector<16xi32>
          %gather3A_482 = tpu.vector_load_idx %arg12[%add3A_458, %broadcast_in_dim3A_481] : memref<2048x8xf32, #tpu.memory_space<vmem>>[vector<16xi32>, vector<16xi32>], vector<16xf32>,
          %broadcast_in_dim3A_483 = arith.constant 3 : i32
          %broadcast_in_dim3A_484 = vector.broadcast %broadcast_in_dim3A_483 : i32 to vector<16xi32>
          %gather3A_485 = tpu.vector_load_idx %arg12[%add3A_461, %broadcast_in_dim3A_484] : memref<2048x8xf32, #tpu.memory_space<vmem>>[vector<16xi32>, vector<16xi32>], vector<16xf32>,
          %broadcast_in_dim3A_486 = arith.constant 4 : i32
          %broadcast_in_dim3A_487 = vector.broadcast %broadcast_in_dim3A_486 : i32 to vector<16xi32>
          %gather3A_488 = tpu.vector_load_idx %arg12[%add3A_458, %broadcast_in_dim3A_487] : memref<2048x8xf32, #tpu.memory_space<vmem>>[vector<16xi32>, vector<16xi32>], vector<16xf32>,
          %convert_element_type3A_489 = arith.fptosi %gather3A_488 : vector<16xf32> to vector<16xi32>
          %broadcast_in_dim3A_490 = arith.constant 4 : i32
          %broadcast_in_dim3A_491 = vector.broadcast %broadcast_in_dim3A_490 : i32 to vector<16xi32>
          %gather3A_492 = tpu.vector_load_idx %arg12[%add3A_461, %broadcast_in_dim3A_491] : memref<2048x8xf32, #tpu.memory_space<vmem>>[vector<16xi32>, vector<16xi32>], vector<16xf32>,
          %convert_element_type3A_493 = arith.fptosi %gather3A_492 : vector<16xf32> to vector<16xi32>
          %sub3A_494 = arith.subf %gather3A_473, %gather3A_464 : vector<16xf32>
          %sub3A_495 = arith.subf %gather3A_476, %gather3A_467 : vector<16xf32>
          %sub3A_496 = arith.subf %gather3A_479, %gather3A_470 : vector<16xf32>
          %mul3A_497 = arith.mulf %sub3A_494, %sub3A_494 : vector<16xf32>
          %mul3A_498 = arith.mulf %sub3A_495, %sub3A_495 : vector<16xf32>
          %add3A_499 = arith.addf %mul3A_497, %mul3A_498 : vector<16xf32>
          %mul3A_500 = arith.mulf %sub3A_496, %sub3A_496 : vector<16xf32>
          %add3A_501 = arith.addf %add3A_499, %mul3A_500 : vector<16xf32>
          %add3A_502 = arith.constant 9.99999997E-7 : f32
          %add3A_503 = vector.broadcast %add3A_502 : f32 to vector<16xf32>
          %add3A_504 = arith.addf %add3A_501, %add3A_503 : vector<16xf32>
          %bitcast3A_505 = vector.bitcast %add3A_504 : vector<16xf32> to vector<16xi32>
          %shift_right_logical3A_506 = arith.constant 1 : i32
          %shift_right_logical3A_507 = vector.broadcast %shift_right_logical3A_506 : i32 to vector<16xi32>
          %shift_right_logical3A_508 = arith.shrui %bitcast3A_505, %shift_right_logical3A_507 : vector<16xi32>
          %sub3A_509 = arith.constant 1597463007 : i32
          %sub3A_510 = vector.broadcast %sub3A_509 : i32 to vector<16xi32>
          %sub3A_511 = arith.subi %sub3A_510, %shift_right_logical3A_508 : vector<16xi32>
          %bitcast3A_512 = vector.bitcast %sub3A_511 : vector<16xi32> to vector<16xf32>
          %mul3A_513 = arith.constant 5.000000e-01 : f32
          %mul3A_514 = vector.broadcast %mul3A_513 : f32 to vector<16xf32>
          %mul3A_515 = arith.mulf %mul3A_514, %add3A_504 : vector<16xf32>
          %mul3A_516 = arith.mulf %mul3A_515, %bitcast3A_512 : vector<16xf32>
          %mul3A_517 = arith.mulf %mul3A_516, %bitcast3A_512 : vector<16xf32>
          %sub3A_518 = arith.constant 1.500000e+00 : f32
          %sub3A_519 = vector.broadcast %sub3A_518 : f32 to vector<16xf32>
          %sub3A_520 = arith.subf %sub3A_519, %mul3A_517 : vector<16xf32>
          %mul3A_521 = arith.mulf %bitcast3A_512, %sub3A_520 : vector<16xf32>
          %mul3A_522 = arith.mulf %mul3A_515, %mul3A_521 : vector<16xf32>
          %mul3A_523 = arith.mulf %mul3A_522, %mul3A_521 : vector<16xf32>
          %sub3A_524 = arith.constant 1.500000e+00 : f32
          %sub3A_525 = vector.broadcast %sub3A_524 : f32 to vector<16xf32>
          %sub3A_526 = arith.subf %sub3A_525, %mul3A_523 : vector<16xf32>
          %mul3A_527 = arith.mulf %mul3A_521, %sub3A_526 : vector<16xf32>
          %mul3A_528 = arith.mulf %mul3A_515, %mul3A_527 : vector<16xf32>
          %mul3A_529 = arith.mulf %mul3A_528, %mul3A_527 : vector<16xf32>
          %sub3A_530 = arith.constant 1.500000e+00 : f32
          %sub3A_531 = vector.broadcast %sub3A_530 : f32 to vector<16xf32>
          %sub3A_532 = arith.subf %sub3A_531, %mul3A_529 : vector<16xf32>
          %mul3A_533 = arith.mulf %mul3A_527, %sub3A_532 : vector<16xf32>
          %mul3A_534 = arith.constant 16 : i32
          %mul3A_535 = vector.broadcast %mul3A_534 : i32 to vector<16xi32>
          %mul3A_536 = arith.muli %convert_element_type3A_489, %mul3A_535 : vector<16xi32>
          %add3A_537 = arith.addi %mul3A_536, %convert_element_type3A_493 : vector<16xi32>
          %gather3A_538 = tpu.vector_load_idx %arg14[%add3A_537] : memref<256xf32, #tpu.memory_space<vmem>>[vector<16xi32>], vector<16xf32>,
          %gather3A_539 = tpu.vector_load_idx %arg15[%add3A_537] : memref<256xf32, #tpu.memory_space<vmem>>[vector<16xi32>], vector<16xf32>,
          %mul3A_540 = arith.mulf %mul3A_533, %mul3A_533 : vector<16xf32>
          %mul3A_541 = arith.mulf %gather3A_539, %gather3A_539 : vector<16xf32>
          %mul3A_542 = arith.mulf %mul3A_541, %mul3A_540 : vector<16xf32>
          %mul3A_543 = arith.mulf %mul3A_542, %mul3A_542 : vector<16xf32>
          %mul3A_544 = arith.mulf %mul3A_543, %mul3A_542 : vector<16xf32>
          %mul3A_545 = arith.constant 4.000000e+00 : f32
          %mul3A_546 = vector.broadcast %mul3A_545 : f32 to vector<16xf32>
          %mul3A_547 = arith.mulf %mul3A_546, %gather3A_538 : vector<16xf32>
          %mul3A_548 = arith.mulf %mul3A_544, %mul3A_544 : vector<16xf32>
          %sub3A_549 = arith.subf %mul3A_548, %mul3A_544 : vector<16xf32>
          %mul3A_550 = arith.mulf %mul3A_547, %sub3A_549 : vector<16xf32>
          %mul3A_551 = arith.constant 332.073181 : f32
          %mul3A_552 = vector.broadcast %mul3A_551 : f32 to vector<16xf32>
          %mul3A_553 = arith.mulf %mul3A_552, %gather3A_482 : vector<16xf32>
          %mul3A_554 = arith.mulf %mul3A_553, %gather3A_485 : vector<16xf32>
          %mul3A_555 = arith.mulf %mul3A_554, %mul3A_533 : vector<16xf32>
          %get3A_556 = arith.index_cast %add3A_51 : i32 to index
          %get3A_557 = arith.index_cast %mul3A_455 : i32 to index
          %get3A_558 = tpu.vector_load %arg10[%get3A_556, %get3A_557] {strides = array<i32>} : memref<10x1024xf32, #tpu.memory_space<vmem>>, vector<16xf32>,
          %mul3A_559 = arith.constant 5.000000e-01 : f32
          %mul3A_560 = vector.broadcast %mul3A_559 : f32 to vector<16xf32>
          %mul3A_561 = arith.mulf %mul3A_560, %get3A_558 : vector<16xf32>
          %add3A_562 = arith.addf %mul3A_550, %mul3A_555 : vector<16xf32>
          %mul3A_563 = arith.mulf %mul3A_561, %add3A_562 : vector<16xf32>
          %get3A_564 = arith.index_cast %add3A_51 : i32 to index
          %get3A_565 = arith.index_cast %mul3A_455 : i32 to index
          %get3A_566 = tpu.vector_load %arg9[%get3A_564, %get3A_565] {strides = array<i32>} : memref<10x2048xi32, #tpu.memory_space<vmem>>, vector<16xi32>,
          %add3A_567 = arith.constant 1024 : i32
          %add3A_568 = arith.addi %add3A_567, %mul3A_455 : i32
          %get3A_569 = arith.index_cast %add3A_51 : i32 to index
          %get3A_570 = arith.index_cast %add3A_568 : i32 to index
          %get3A_571 = tpu.vector_load %arg9[%get3A_569, %get3A_570] {strides = array<i32>} : memref<10x2048xi32, #tpu.memory_space<vmem>>, vector<16xi32>,
          tpu.vector_store_idx %arg13[%get3A_566], %mul3A_563 {add = true} : memref<51200xf32, #tpu.memory_space<vmem>>[vector<16xi32>], vector<16xf32>,
          tpu.vector_store_idx %arg13[%get3A_571], %mul3A_563 {add = true} : memref<51200xf32, #tpu.memory_space<vmem>>[vector<16xi32>], vector<16xf32>,
          %scan3A_572 = arith.constant 0 : i32
          scf.yield %scan3A_572 : i32
        }
        %scan3A_87 = arith.constant 16 : i32
        %scan3A_88 = arith.constant 0 : i32
        scf.yield %scan3A_88 : i32
      }
      %scan3A_42 = arith.constant 5 : i32
      %scan3A_43 = arith.constant 0 : i32
      scf.yield %scan3A_43 : i32
    }
    %scan3A_18 = arith.constant 5 : i32
    %scan3A_19 = arith.constant 0 : i32
    %scan3A_20 = arith.constant 0 : i32
    %scan3A_21 = arith.constant 25 : i32
    %scan3A_22 = arith.addi %scan3A_20, %scan3A_21 : i32
    %scan3A_23 = arith.constant 1 : i32
    %scan3A_24 = scf.for %scan3A_31 = %scan3A_20 to %scan3A_22 step %scan3A_23 iter_args(%scan3A_32 = %scan3A_19) -> (i32)  : i32 {
      %mul3A_33 = arith.constant 2048 : i32
      %mul3A_34 = arith.muli %scan3A_31, %mul3A_33 : i32
      "tpu.region"() ({
        %run_scoped3A = tpu.sem_alloc : memref<!tpu.dma_semaphore, #tpu.memory_space<semaphore_mem>>
        %dma_start3A = tpu.memref_slice %arg7[%mul3A_34] : memref<51200xi32, #tpu.memory_space<hbm>> -> memref<2048xi32, #tpu.memory_space<hbm>>
        %dma_start3A_36 = tpu.memref_slice %arg7[%mul3A_34] : memref<51200xi32, #tpu.memory_space<hbm>> -> memref<2048xi32, #tpu.memory_space<hbm>>
        tpu.enqueue_dma source(%dma_start3A_36 : memref<2048xi32, #tpu.memory_space<hbm>>) target(%arg16 : memref<2048xi32, #tpu.memory_space<vmem>>) target_semaphore(%run_scoped3A : memref<!tpu.dma_semaphore, #tpu.memory_space<semaphore_mem>>)
        %dma_wait3A = tpu.memref_slice %arg7[%mul3A_34] : memref<51200xi32, #tpu.memory_space<hbm>> -> memref<2048xi32, #tpu.memory_space<hbm>>
        %dma_wait3A_37 = tpu.memref_slice %arg7[%mul3A_34] : memref<51200xi32, #tpu.memory_space<hbm>> -> memref<2048xi32, #tpu.memory_space<hbm>>
        tpu.wait_dma2 semaphore(%run_scoped3A : memref<!tpu.dma_semaphore, #tpu.memory_space<semaphore_mem>>) src(%dma_wait3A_37 : memref<2048xi32, #tpu.memory_space<hbm>>) dst(%arg16 : memref<2048xi32, #tpu.memory_space<vmem>>)
        tpu.yield
      }) : () -> ()
      "tpu.region"() ({
        %run_scoped3A = tpu.sem_alloc : memref<!tpu.dma_semaphore, #tpu.memory_space<semaphore_mem>>
        %dma_start3A = tpu.memref_slice %arg13[%mul3A_34] : memref<51200xf32, #tpu.memory_space<vmem>> -> memref<2048xf32, #tpu.memory_space<vmem>>
        %dma_start3A_36 = arith.constant 0 : i32
        %dma_start3A_37 = tpu.memref_slice %arg17[%dma_start3A_36] : memref<51200xf32, #tpu.memory_space<vmem_shared>> -> memref<51200xf32, #tpu.memory_space<vmem_shared>>
        tpu.enqueue_indirect_dma source(%dma_start3A : memref<2048xf32, #tpu.memory_space<vmem>>) target(%dma_start3A_37 : memref<51200xf32, #tpu.memory_space<vmem_shared>>) offsets(%arg16 : memref<2048xi32, #tpu.memory_space<vmem>>) semaphore(%run_scoped3A : memref<!tpu.dma_semaphore, #tpu.memory_space<semaphore_mem>>) {add = true}
        %dma_wait3A = tpu.memref_slice %arg13[%mul3A_34] : memref<51200xf32, #tpu.memory_space<vmem>> -> memref<2048xf32, #tpu.memory_space<vmem>>
        %dma_wait3A_38 = arith.constant 0 : i32
        %dma_wait3A_39 = tpu.memref_slice %arg17[%dma_wait3A_38] : memref<51200xf32, #tpu.memory_space<vmem_shared>> -> memref<51200xf32, #tpu.memory_space<vmem_shared>>
        tpu.wait_indirect_dma semaphore(%run_scoped3A : memref<!tpu.dma_semaphore, #tpu.memory_space<semaphore_mem>>) src(%dma_wait3A : memref<2048xf32, #tpu.memory_space<vmem>>) dst(%dma_wait3A_39 : memref<51200xf32, #tpu.memory_space<vmem_shared>>)
        tpu.yield
      }) : () -> ()
      %scan3A_35 = arith.constant 0 : i32
      scf.yield %scan3A_35 : i32
    }
    %scan3A_25 = arith.constant 25 : i32
    %barrier3A_26 = arith.constant 0 : index
    tpu.barrier barrier_id(%barrier3A_26)
    %mul3A_27 = arith.constant 3200 : i32
    %mul3A_28 = arith.muli %arg1, %mul3A_27 : i32
    %mul3A_29 = arith.constant 3200 : i32
    %mul3A_30 = arith.muli %arg1, %mul3A_29 : i32
    "tpu.region"() ({
      %run_scoped3A = tpu.sem_alloc : memref<!tpu.dma_semaphore, #tpu.memory_space<semaphore_mem>>
      %dma_start3A = tpu.memref_slice %arg8[%arg0, %mul3A_30] : memref<2x51200xf32, #tpu.memory_space<hbm>> -> memref<1x3200xf32, #tpu.memory_space<hbm>>
      %dma_start3A_31 = tpu.memref_squeeze %dma_start3A : memref<1x3200xf32, #tpu.memory_space<hbm>> -> memref<3200xf32, #tpu.memory_space<hbm>>
      %dma_start3A_32 = tpu.memref_slice %arg17[%mul3A_28] : memref<51200xf32, #tpu.memory_space<vmem_shared>> -> memref<3200xf32, #tpu.memory_space<vmem_shared>>
      tpu.enqueue_dma source(%dma_start3A_32 : memref<3200xf32, #tpu.memory_space<vmem_shared>>) target(%dma_start3A_31 : memref<3200xf32, #tpu.memory_space<hbm>>) target_semaphore(%run_scoped3A : memref<!tpu.dma_semaphore, #tpu.memory_space<semaphore_mem>>)
      %dma_wait3A = tpu.memref_slice %arg8[%arg0, %mul3A_30] : memref<2x51200xf32, #tpu.memory_space<hbm>> -> memref<1x3200xf32, #tpu.memory_space<hbm>>
      %dma_wait3A_33 = tpu.memref_squeeze %dma_wait3A : memref<1x3200xf32, #tpu.memory_space<hbm>> -> memref<3200xf32, #tpu.memory_space<hbm>>
      %dma_wait3A_34 = tpu.memref_slice %arg17[%mul3A_28] : memref<51200xf32, #tpu.memory_space<vmem_shared>> -> memref<3200xf32, #tpu.memory_space<vmem_shared>>
      tpu.wait_dma2 semaphore(%run_scoped3A : memref<!tpu.dma_semaphore, #tpu.memory_space<semaphore_mem>>) src(%dma_wait3A_34 : memref<3200xf32, #tpu.memory_space<vmem_shared>>) dst(%dma_wait3A_33 : memref<3200xf32, #tpu.memory_space<hbm>>)
      tpu.yield
    }) : () -> ()
    return
  }
}

</mosaic_0001>

<sc_bundles>
// kernel: _sc_call.3.cloned.1.call-start
scs
__scs_entry_jumppad:
0x0: {  	(pc) =	sbr.rel $0x88, $3  }
0x1: {  	(tag) =	ssettag $0x0;
	lr =	simm.s32 $0x1  }
0x2: {  	[smem:$0x3F9B] =	sst lr;
	_ =	strace $0xD0000000  }
0x3: {  	_ = 	snop  }
0x4: {  	_ = 	snop  }
0x5: {  	_ = 	snop  }
0x6: {  	_ = 	snop  }
0x7: {  	_ = 	snop  }
__scs_overlays_trampoline_lowered:
0x8: {  	[smem:$0x3FAA] =	sst s0  }
0x9: {  	[smem:$0x3FAB] =	sst s1  }
0xa: {  	[smem:$0x3FAC] =	sst s2  }
0xb: {  	[smem:$0x3FAD] =	sst s3  }
0xc: {  	[smem:$0x3FAE] =	sst s4  }
0xd: {  	[smem:$0x3FAF] =	sst s5  }
0xe: {  	[smem:$0x3FB0] =	sst s6  }
0xf: {  	[smem:$0x3FB1] =	sst s7  }
0x10: {  	[smem:$0x3FB2] =	sst s8  }
0x11: {  	[smem:$0x3FB3] =	sst s9;
	s0 =	simm.s32 @!p0 $0x0  }
0x12: {  	s1 =	sld [smem:$0x3F99];
	s0 =	simm.s32 @p0 $0x1  }
0x13: {  	[smem:$0x3FB4] =	sst s0;
	s0 =	simm.s32 @!p1 $0x0  }
0x14: {  	s2 =	sld [smem:$0x3F98];
	s0 =	simm.s32 @p1 $0x1  }
0x15: {  	[smem:$0x3FB5] =	sst s0;
	s0 =	simm.s32 @!p2 $0x0  }
0x16: {  	s3 =	sld [smem:$0x3FDB];
	s0 =	simm.s32 @p2 $0x1  }
0x17: {  	s4 =	simm.s32 $0x1BF5;
	[smem:$0x3FB7] =	sst s0  }
0x18: {  	s0 =	sld [smem:$0x3F9A];
	_ =	swait.ge [sflag:s4], $0x0  }
0x19: {  	s7 =	sld [smem:$0x3F9B]  }
0x1a: {  	s8 =	sadd.s32 $0xFFFFE003, lr  }
0x1b: {  	s9 =	sadd.s32 $0xFFFFFEF7, lr;
	s5 =	simm.s32 $0xFFFFFFFF;
	p2 =	slt.u32 s8, $0xFFFFF086  }
0x1c: {  	p1 =	slt.u32 s9, $0xF7A;
	s5 =	simm.s32 @!p2 $0x0  }
0x1d: {  	s5 =	simm.s32 @p1 $0x1;
	p0 =	seq.s32 s7, s2  }
0x1e: {  	s7 =	smul.u32 @!p0 $0xF7A, s2;
	p2 =	seq.s32 @!p0 s5, $0x0  }
0x1f: {  	s9 =	smul.u32 $0xF7A, s1;
	s8 =	simm.s32 @!p0 $0x1BF5;
	p2 =	por !p2, p0  }
0x20: {  	[sflag:s8] =	ssyncset.s32 @!p0 $0xFFFFF086;
	s6 =	sadd.s32 @!p0 s3, s7;
	s7 =	simm.s32 @!p0 $0x108  }
0x21: {  	s3 =	sadd.s32 s3, s9;
	s6 =	sadd.s32 @!p0 $0x88, s6;
	s7 =	simm.s32 @p2 $0x1082  }
0x22: {  	[simem:s7], [sflag:s8] =	dma.local @!p0 [hbm:s6], $0xF7A  }
0x23: {  	s9 =	sor.u32 $0xD0000000, s2;
	s6 =	simm.s32 $0x108;
	_ =	swait.ge @!p0 [sflag:s8], $0x0  }
0x24: {  	s3 =	sadd.s32 $0x88, s3;
	s6 =	simm.s32 @!p1 $0x1082;
	[sflag:s4] =	ssyncset.s32 $0xFFFFF086  }
0x25: {  	[simem:s6], [sflag:s4] =	dma.local [hbm:s3], $0xF7A  }
0x26: {  	[smem:$0x3F9B] =	sst s1;
	(tag) =	ssettag s2;
	_ =	strace s9  }
0x27: {  	s1 =	sld [smem:$0x3FAB]  }
0x28: {  	s2 =	sld [smem:$0x3FAC]  }
0x29: {  	s4 =	sld [smem:$0x3FAE]  }
0x2a: {  	p0 =	seq.s32 s5, $0x0;
	s5 =	sld [smem:$0x3FAF]  }
0x2b: {  	s6 =	sld [smem:$0x3FB0]  }
0x2c: {  	s7 =	sld [smem:$0x3FB1]  }
0x2d: {  	s3 =	simm.s32 $0x108;
	s8 =	sld [smem:$0x3FB2]  }
0x2e: {  	s3 =	simm.s32 @!p0 $0x1082;
	s9 =	sld [smem:$0x3FB3]  }
0x2f: {  	lr =	sadd.s32 s0, s3;
	s0 =	sld [smem:$0x3FAA]  }
0x30: {  	s3 =	sld [smem:$0x3FAD]  }
0x31: {  	[smem:$0x3FB6] =	sst s10  }
0x32: {  	s10 =	sld [smem:$0x3FB4];
	_ =	sdelay $0x3  }
0x33: {  	p0 =	seq.s32 s10, $0x1;
	s10 =	sld [smem:$0x3FB6];
	_ =	sdelay $0x3  }
0x34: {  	[smem:$0x3FB6] =	sst s10  }
0x35: {  	s10 =	sld [smem:$0x3FB5];
	_ =	sdelay $0x3  }
0x36: {  	p1 =	seq.s32 s10, $0x1;
	s10 =	sld [smem:$0x3FB6];
	_ =	sdelay $0x3  }
0x37: {  	[smem:$0x3FB6] =	sst s10  }
0x38: {  	s10 =	sld [smem:$0x3FB7]  }
0x39: {  	_ = 	snop;
	(pc) =	sbr.ind lr, $3  }
0x3a: {  	_ = 	snop  }
0x3b: {  	_ = 	snop  }
0x3c: {  	p2 =	seq.s32 s10, $0x1;
	s10 =	sld [smem:$0x3FB6]  }
0x3d: {  	_ =	shalt  }
0x3e: {  	_ =	shalt  }
0x3f: {  	_ =	shalt  }
0x40: {  	_ =	shalt  }
0x41: {  	_ =	shalt  }
0x42: {  	_ =	shalt  }
0x43: {  	_ =	shalt  }
0x44: {  	_ =	shalt  }
0x45: {  	_ =	shalt  }
0x46: {  	_ =	shalt  }
0x47: {  	_ =	shalt  }
0x48: {  	_ =	shalt  }
0x49: {  	_ =	shalt  }
0x4a: {  	_ =	shalt  }
0x4b: {  	_ =	shalt  }
0x4c: {  	_ =	shalt  }
0x4d: {  	_ =	shalt  }
0x4e: {  	_ =	shalt  }
0x4f: {  	_ =	shalt  }
0x50: {  	_ =	shalt  }
0x51: {  	_ =	shalt  }
0x52: {  	_ =	shalt  }
0x53: {  	_ =	shalt  }
0x54: {  	_ =	shalt  }
0x55: {  	_ =	shalt  }
0x56: {  	_ =	shalt  }
0x57: {  	_ =	shalt  }
0x58: {  	_ =	shalt  }
0x59: {  	_ =	shalt  }
0x5a: {  	_ =	shalt  }
0x5b: {  	_ =	shalt  }
0x5c: {  	_ =	shalt  }
0x5d: {  	_ =	shalt  }
0x5e: {  	_ =	shalt  }
0x5f: {  	_ =	shalt  }
0x60: {  	_ =	shalt  }
0x61: {  	_ =	shalt  }
0x62: {  	_ =	shalt  }
0x63: {  	_ =	shalt  }
0x64: {  	_ =	shalt  }
0x65: {  	_ =	shalt  }
0x66: {  	_ =	shalt  }
0x67: {  	_ =	shalt  }
0x68: {  	_ =	shalt  }
0x69: {  	_ =	shalt  }
0x6a: {  	_ =	shalt  }
0x6b: {  	_ =	shalt  }
0x6c: {  	_ =	shalt  }
0x6d: {  	_ =	shalt  }
0x6e: {  	_ =	shalt  }
0x6f: {  	_ =	shalt  }
0x70: {  	_ =	shalt  }
0x71: {  	_ =	shalt  }
0x72: {  	_ =	shalt  }
0x73: {  	_ =	shalt  }
0x74: {  	_ =	shalt  }
0x75: {  	_ =	shalt  }
0x76: {  	_ =	shalt  }
0x77: {  	_ =	shalt  }
0x78: {  	_ =	shalt  }
0x79: {  	_ =	shalt  }
0x7a: {  	_ =	shalt  }
0x7b: {  	_ =	shalt  }
0x7c: {  	_ =	shalt  }
0x7d: {  	_ =	shalt  }
0x7e: {  	_ =	shalt  }
0x7f: {  	_ =	shalt  }
0x80: {  	_ =	shalt  }
0x81: {  	_ =	shalt  }
0x82: {  	_ =	shalt  }
0x83: {  	_ =	shalt  }
0x84: {  	_ =	shalt  }
0x85: {  	_ =	shalt  }
0x86: {  	_ =	shalt  }
0x87: {  	_ =	shalt  }
.Lfunc_end0:
.L_simem_size_0:
called_computation_lowered:
.L_overlay_start_0:
0x88: {  	s2 =	sld [smem:$0x3FD9]  }
0x89: {  	s3 =	sld [smem:$0x3FFE];
	_ =	sdelay $0x1  }
0x8a: {  	s1 =	srdreg.scid  }
0x8b: {  	s0 =	sand.u32 $0x1, s1  }
0x8c: {  	s17 =	sshll.u32 s0, $0xA;
	s2 =	sadd.s32 s3, s2  }
0x8d: {  	s2 =	sadd.s32 s2, s17  }
0x8e: {  	[smem:$0x3FC2] =	sst s2  }
0x8f: {  	_ = 	snop  }
0x90: {  	s2 =	sld [smem:$0x3FC6]  }
0x91: {  	s18 =	sld [smem:$0x3FC5]  }
0x92: {  	s4 =	sld [smem:$0x3FC4];
	(tm) =	ssettm $0x1  }
0x93: {  	s5 =	sld [smem:$0x3FFB];
	_ =	sdelay $0x3  }
0x94: {  	_ =	strace s5  }
0x95: {  	s5 =	sld [smem:$0x3FFC];
	_ =	sdelay $0x3  }
0x96: {  	_ =	strace s5  }
0x97: {  	s5 =	sld [smem:$0x3FFD];
	_ =	sdelay $0x3  }
0x98: {  	_ =	strace s5  }
0x99: {  	_ =	strace $0x8FFFFFFF  }
0x9a: {  	s19 =	sld [smem:$0x3FDB];
	_ =	sdelay $0x1  }
0x9b: {  	s6 =	simm.s32 $_scs_section_size  }
0x9c: {  	s7 =	simm.s32 $_size__tile_overlayer_lowered;
	s8 =	simm.s32 $_tile_overlayer_lowered  }
0x9d: {  	s22 =	simm.s32 $0x1BFF;
	s21 =	sshll.u32 s8, $0x1;
	s5 =	sadd.s32 s6, s19  }
0x9e: {  	s9 =	simm.s32 $0x0;
	s20 =	sshll.u32 s7, $0x1;
	s7 =	sadd.s32 s21, s5  }
0x9f: {  	[timem:s9], [sflag:s22] =	dma.local [hbm:s7], s20  }
0xa0: {  	_ =	swait.ge [sflag:s22], s20  }
0xa1: {  	s6 =	ssub.s32 $0x0, s20;
	[sflag:s22] =	ssyncset.done $0x0  }
0xa2: {  	[sflag:s22] =	ssyncadd.s32 s6;
	_ =	sdelay $0x1  }
0xa3: {  	s23 =	simm.s32 $0x1B8B  }
0xa4: {  	_ =	swait.ge [sflag:s23], $0x1  }
0xa5: {  	[sflag:s23] =	ssyncset.done $0x0  }
0xa6: {  	s25 =	simm.s32 $0x1B8E;
	s24 =	sld [smem:$0x3FFE];
	[sflag:s23] =	ssyncadd.s32 $0xFFFFFFFF  }
0xa7: {  	s26 =	simm.s32 $execute0_lowered;
	[smem:$0x3FD2] =	sst s25  }
0xa8: {  	s7 =	sshll.u32 s26, $0x1;
	_ =	strace $0x80000046;
	[dreg:$0x1] =	wrdreg $0xFFFFFFFF  }
0xa9: {  	s28 =	simm.s32 $_size_execute0_lowered;
	s5 =	sadd.s32 s5, s7;
	[dreg:$0x0] =	wrdreg $0x0  }
0xaa: {  	s7 =	sshll.u32 s28, $0x1;
	[dreg:$0x2] =	wrdreg s5  }
0xab: {  	[dreg:$0x3] =	wrdreg s7  }
0xac: {  	[dreg:$0x4] =	wrdreg $0xC0  }
0xad: {  	_ =	task [dreg:s9], $0x5FFFF  }
0xae: {  	[dreg:$0x1] =	wrdreg $0xFFFFFFFF  }
0xaf: {  	[dreg:$0x0] =	wrdreg $0x60  }
0xb0: {  	[dreg:$0x2] =	wrdreg s24  }
0xb1: {  	[dreg:$0x3] =	wrdreg s2  }
0xb2: {  	[dreg:$0x4] =	wrdreg s18  }
0xb3: {  	[dreg:$0x5] =	wrdreg s4  }
0xb4: {  	[dreg:$0x6] =	wrdreg $0x1CA000  }
0xb5: {  	[dreg:$0x7] =	wrdreg $0x9  }
0xb6: {  	_ =	task.clear_ibuf [dreg:s9], $0x8FFFF;
	_ =	strace $0x90000046  }
0xb7: {  	s29 =	simm.s32 $0x9;
	_ =	strace $0x80000048  }
0xb8: {  	_ =	swait.ge [sflag:s29], $0x1  }
0xb9: {  	[sflag:s29] =	ssyncadd.s32 $0xFFFFFFFF  }
0xba: {  	_ =	strace $0x90000048  }
0xbb: {  	_ =	sfence  }
0xbc: {  	s30 =	sld [smem:$0x0];
	_ =	sdelay $0x2  }
0xbd: {  	s31 =	sshll.u32 s1, $0xD;
	s1 =	sshrl.u32 s1, $0x2  }
0xbe: {  	s3 =	sand.u32 $0x4000, s31;
	s1 =	sadd.s32 s1, s30  }
0xbf: {  	s0 =	sor.u32 s3, s0;
	s1 =	sshll.u32 s1, $0x11  }
0xc0: {  	s0 =	sor.u32 s1, s0  }
0xc1: {  	s0 =	sadd.s32 $0x8F2B, s0  }
0xc2: {  	[sflag:s0] =	ssyncadd.remote.s32 $0x1  }
0xc3: {  	_ =	sfence.sel $0xFFFF  }
0xc4: {  	[dreg:$0x0] =	wrdreg $0xFFFFFFFF;
	(pc) =	sbr.abs _section_cstart, $3  }
0xc5: {  	[dreg:$0x1] =	wrdreg $0xFFFFFFFF  }
0xc6: {  	_ =	task.clear_ibuf [dreg:s9], $0x2FFFF;
	_ =	strace $0x9FFFFFFF  }
0xc7: {  	(tm) =	ssettm $0x7FFFFFFF  }
tec
execute0_lowered:
.L_overlay_start_1:
0x0: {  	(tag) =	ssettag $0x1  }
0x1: {  	s0 =	rddreg [dreg:$0x0]  }
0x2: {  	s4 =	rddreg [dreg:$0x3]  }
0x3: {  	s5 =	rddreg [dreg:$0x4];
	s1 =	srdreg.scid  }
0x4: {  	s12 =	stileid.u32;
	s6 =	simm.s32 $0x0;
	s14 =	simm.s32 $0x1C000  }
0x5: {  	s15 =	simm.s32 $0x2;
	s16 =	simm.s32 $0x1C100;
	s17 =	simm.s32 $0xF800  }
0x6: {  	s18 =	simm.s32 $0x5000;
	s19 =	simm.s32 $0x800;
	s20 =	simm.s32 $0x7800  }
0x7: {  	s21 =	simm.s32 $0xB800;
	s22 =	simm.s32 $0x1;
	s23 =	simm.s32 $0x1C200  }
0x8: {  	s24 =	simm.s32 $0x0;
	s1 =	sand.u32 $0x1, s1;
	s2 =	smul.u32 $0xC80, s12  }
0x9: {  	s25 =	simm.s32 $0x0;
	[smem:$0x7FF] =	sst s6;
	s3 =	smul.u32 $0xC800, s1  }
0xa: {  	s7 =	sadd.s32 $0xC00, s0;
	s8 =	sadd.s32 $0xD000, s0;
	s10 =	ssub.s32 $0x2, s1  }
0xb: {  	s9 =	sadd.s32 $0x71000, s0;
	s11 =	sshrl.u32 s10, $0x1;
	s3 =	sadd.s32 s2, s3  }
0xc: {  	v0 =	vlaneseq.u32;
	_ =	strace $0x80000047;
	s30 =	ssub.s32 s10, s11;
	s3 =	sshrl.u32 s3, $0x3  }
0xd: {  	v0 =	vmul.u32 $0x8, v0;
	s1 =	sshll.u32 s1, $0x4;
	s31 =	smax.u32 s30, $0x1;
	s0 =	sadd.s32 s3, s0  }
0xe: {  	s1 =	sor.u32 s12, s1;
	[dreg:$0x7] =	wrdreg s31;
	s0 =	sadd.s32 $0xA3000, s0  }
0xf: {  	v1 =	vimm.f32 $0.0e+00;
	v2 =	vor.u32 $0x2000, v0;
	s10 =	sadd.s32 s2, s5;
	s11 =	smul.u32 $0x32, s1;
	[dreg:$0x6] =	wrdreg s0  }
.LBB2_1:
0x10: {  	s0 =	rddreg [dreg:$0x1]  }
0x11: {  	[tilespmem:s14], [sflag:$0x2] =	stream.linear.gather [hbm4b:s0+s6], $0x100, $0x38;
	[tilespmem:$0x1D680] =	vst v63  }
0x12: {  	_ =	swait.ge [sflag:s15], $0x100  }
0x13: {  	[sflag:s15] =	ssyncset.done $0x0  }
0x14: {  	[sflag:s15] =	ssyncadd.s32 $0xFFFFFF00  }
0x15: {  	s31 =	rddreg [dreg:$0x2]  }
0x16: {  	[tilespmem:s16], [sflag:$0x2] =	stream.linear.gather [hbm4b:s31+s6], $0x100, $0x38;
	[tilespmem:$0x1D680] =	vst v63  }
0x17: {  	_ =	swait.ge [sflag:s15], $0x100  }
0x18: {  	[sflag:s15] =	ssyncset.done $0x0  }
0x19: {  	s1 =	simm.s32 $0x0;
	s0 =	simm.s32 $0x40;
	[sflag:s15] =	ssyncadd.s32 $0xFFFFFF00  }
.LBB2_2:
0x1a: {  	p0 =	sne.s32 s0, $0x31FC0;
	[tilespmem:s1+$0xF800] =	vst v1;
	s1 =	smov.u32 s0;
	s0 =	sadd.s32 $0x40, s0  }
.Ltmp0:
0x1b: {  	(pc) =	sbr.rel @p0 .LBB2_2-.Ltmp0, $2  }
0x1c: {  	_ =	sdelay $0x2  }
0x1d: {  	s1 =	sshra.s32 s1, $0x2  }
0x1e: {  	[tilespmem:s1+$0xF800] =	vst v1  }
0x1f: {  	[spmem:s10] =	stream.linear.scatter [tilespmem:s17], [sflag:$0x2], $0xC80, $0x38;
	[tilespmem:$0x1D680] =	vst v63  }
0x20: {  	_ =	swait.ge [sflag:s15], $0xC80  }
0x21: {  	[sflag:s15] =	ssyncset.done $0x0  }
0x22: {  	[sflag:s15] =	ssyncadd.s32 $0xFFFFF380  }
0x23: {  	s26 =	simm.s32 $0x0;
	[bflag:$0x0] =	sbarrier.arrive $0xFFFF  }
.LBB2_4:
0x24: {  	s0 =	smul.u32 $0xA, s26;
	_ =	sdelay $0x1  }
0x25: {  	s0 =	sadd.s32 s11, s0  }
0x26: {  	s1 =	sshll.u32 s0, $0x8  }
0x27: {  	s1 =	sadd.s32 s8, s1  }
0x28: {  	[tilespmem:s25], [sflag:$0x2] =	stream.linear.gather [hbm4b:s1+s25], $0x5000, $0x38;
	[tilespmem:$0x1D680] =	vst v63  }
0x29: {  	_ =	swait.ge [sflag:s15], $0x5000  }
0x2a: {  	s0 =	sshll.u32 s0, $0x7;
	[sflag:s15] =	ssyncset.done $0x0  }
0x2b: {  	s0 =	sadd.s32 s9, s0;
	[sflag:s15] =	ssyncadd.s32 $0xFFFFB000  }
0x2c: {  	[tilespmem:s18], [sflag:$0x2] =	stream.linear.gather [hbm4b:s0+s25], $0x2800, $0x38;
	[tilespmem:$0x1D680] =	vst v63  }
0x2d: {  	s2 =	simm.s32 $0x400;
	_ =	swait.ge [sflag:s15], $0x2800  }
0x2e: {  	s3 =	simm.s32 $0x5020;
	s30 =	simm.s32 $0xC30;
	[sflag:s15] =	ssyncset.done $0x0  }
0x2f: {  	s31 =	simm.s32 $0x5430;
	s0 =	simm.s32 $0x0;
	[sflag:s15] =	ssyncadd.s32 $0xFFFFD800  }
.LBB2_5:
0x30: {  	s1 =	sshll.u32 s0, $0xC;
	s28 =	simm.s32 $0x0  }
0x31: {  	s12 =	sand.u32 $0x3FFFF000, s1;
	v3 =	vmov s28;
	s1 =	sor.u32 $0x800, s1  }
0x32: {  	[tilespmem:s20], [sflag:$0x1] =	stream.indirect.gather [hbm4b:s7+s19], $0x8, s12, s19, $0xb8;
	v3 =	vshll.u32 v3, $0x3;
	[tilespmem:$0x1D680] =	vst v63  }
0x33: {  	s1 =	sand.u32 $0x3FFFF800, s1;
	v4 =	vor.u32 v0, v3  }
0x34: {  	v3 =	vor.u32 v2, v3;
	[tilespmem:s21], [sflag:$0x1] =	stream.indirect.gather [hbm4b:s7+s19], $0x8, s1, s19, $0xb8;
	[tilespmem:$0x1D680] =	vst v63  }
0x35: {  	v5 =	vor.u32 $0x1, v4;
	_ =	swait.ge [sflag:s22], $0x4000  }
0x36: {  	v6 =	vor.u32 $0x1, v3;
	[sflag:s22] =	ssyncset.done $0x0  }
0x37: {  	v7 =	vor.u32 $0x2, v3;
	[sflag:s22] =	ssyncadd.s32 $0xFFFFC000  }
0x38: {  	v9 =	vor.u32 $0x2, v4;
	v8 =	vld.idx.msk [tilespmem:v4+s20+$0x0], $0xffff  }
0x39: {  	v10 =	vld.idx.msk [tilespmem:v3+s20+$0x0], $0xffff  }
0x3a: {  	v5 =	vld.idx.msk [tilespmem:v5+s20+$0x0], $0xffff  }
0x3b: {  	v6 =	vld.idx.msk [tilespmem:v6+s20+$0x0], $0xffff  }
0x3c: {  	v7 =	vld.idx.msk [tilespmem:v7+s20+$0x0], $0xffff  }
0x3d: {  	v9 =	vld.idx.msk [tilespmem:v9+s20+$0x0], $0xffff;
	_ =	sdelay $0x2  }
0x3e: {  	v8 =	vsub.f32 v10, v8;
	v5 =	vsub.f32 v6, v5;
	_ =	sdelay $0x1  }
0x3f: {  	v6 =	vsub.f32 v7, v9;
	v7 =	vmul.f32 v8, v8;
	v5 =	vmul.f32 v5, v5;
	_ =	sdelay $0x1  }
0x40: {  	v6 =	vmul.f32 v6, v6;
	v5 =	vadd.f32 v5, v7;
	_ =	sdelay $0x1  }
0x41: {  	v5 =	vadd.f32 v6, v5;
	_ =	sdelay $0x1  }
0x42: {  	v5 =	vadd.f32 $9.999999970e-07, v5;
	_ =	sdelay $0x1  }
0x43: {  	v6 =	vshrl.u32 v5, $0x1;
	v5 =	vmul.f32 $5.000000000e-01, v5  }
0x44: {  	v6 =	vsub.s32 $0x5F3759DF, v6  }
0x45: {  	v7 =	vor.u32 $0x4, v4;
	v8 =	vmul.f32 v6, v5  }
0x46: {  	v9 =	vor.u32 $0x4, v3  }
0x47: {  	v8 =	vmul.f32 v6, v8;
	_ =	sdelay $0x1  }
0x48: {  	v8 =	vsub.f32 $1.500000000e+00, v8  }
0x49: {  	v7 =	vld.idx.msk [tilespmem:v7+s20+$0x0], $0xffff  }
0x4a: {  	v9 =	vld.idx.msk [tilespmem:v9+s20+$0x0], $0xffff;
	v6 =	vmul.f32 v6, v8;
	_ =	sdelay $0x1  }
0x4b: {  	v8 =	vmul.f32 v6, v5;
	_ =	sdelay $0x1  }
0x4c: {  	v7 =	vtrunc.f32 v7;
	v8 =	vmul.f32 v8, v6  }
0x4d: {  	v9 =	vtrunc.f32 v9;
	v7 =	vcvt.f32.s32 v7  }
0x4e: {  	v9 =	vcvt.f32.s32 v9;
	v8 =	vsub.f32 $1.500000000e+00, v8  }
0x4f: {  	v7 =	vshll.u32 v7, $0x4  }
0x50: {  	v7 =	vadd.s32 v9, v7;
	v6 =	vmul.f32 v8, v6;
	_ =	sdelay $0x1  }
0x51: {  	v5 =	vmul.f32 v6, v5;
	_ =	sdelay $0x1  }
0x52: {  	v5 =	vmul.f32 v5, v6  }
0x53: {  	v8 =	vld.idx.msk [tilespmem:v7+s16+$0x0], $0xffff  }
0x54: {  	v5 =	vsub.f32 $1.500000000e+00, v5;
	_ =	sdelay $0x1  }
0x55: {  	v4 =	vor.u32 $0x3, v4;
	v5 =	vmul.f32 v5, v6  }
0x56: {  	v3 =	vor.u32 $0x3, v3  }
0x57: {  	v8 =	vmul.f32 v8, v8;
	v6 =	vmul.f32 v5, v5;
	_ =	sdelay $0x1  }
0x58: {  	v6 =	vmul.f32 v6, v8  }
0x59: {  	v4 =	vld.idx.msk [tilespmem:v4+s20+$0x0], $0xffff  }
0x5a: {  	v3 =	vld.idx.msk [tilespmem:v3+s20+$0x0], $0xffff;
	v8 =	vmul.f32 v6, v6  }
0x5b: {  	v7 =	vld.idx.msk [tilespmem:v7+s14+$0x0], $0xffff  }
0x5c: {  	v6 =	vmul.f32 v8, v6;
	_ =	sdelay $0x1  }
0x5d: {  	v4 =	vmul.f32 $3.320731810e+02, v4;
	v8 =	vmul.f32 v6, v6  }
0x5e: {  	v9 =	vld [tilespmem:s3+$0xFFFFFFE0]  }
0x5f: {  	v3 =	vmul.f32 v3, v4;
	v4 =	vmul.f32 $4.000000000e+00, v7;
	v7 =	vld [tilespmem:s2+$0xFFFFFC00];
	v6 =	vsub.f32 v8, v6  }
0x60: {  	s13 =	simm.s32 $0x10;
	v8 =	vld [tilespmem:s2+$0x0]  }
0x61: {  	v3 =	vmul.f32 v5, v3;
	v5 =	vmov s13;
	v4 =	vmul.f32 v6, v4  }
0x62: {  	v5 =	vshll.u32 v5, $0x3  }
0x63: {  	v6 =	vmul.f32 $5.000000000e-01, v9;
	v3 =	vadd.f32 v4, v3;
	v4 =	vor.u32 v2, v5  }
0x64: {  	v9 =	vor.u32 $0x1, v4  }
0x65: {  	v3 =	vmul.f32 v3, v6  }
0x66: {  	v5 =	vor.u32 v0, v5  }
0x67: {  	v6 =	vor.u32 $0x1, v5;
	[tilespmem:v7+s17+$0x0] =	vst.idx.add.f32.msk $0xffff, v3  }
0x68: {  	[tilespmem:v8+s17+$0x0] =	vst.idx.add.f32.msk $0xffff, v3;
	v3 =	vor.u32 $0x2, v5  }
0x69: {  	v8 =	vor.u32 $0x2, v4;
	v7 =	vld.idx.msk [tilespmem:v9+s20+$0x0], $0xffff  }
0x6a: {  	v9 =	vld.idx.msk [tilespmem:v4+s20+$0x0], $0xffff  }
0x6b: {  	v10 =	vld.idx.msk [tilespmem:v5+s20+$0x0], $0xffff  }
0x6c: {  	v6 =	vld.idx.msk [tilespmem:v6+s20+$0x0], $0xffff  }
0x6d: {  	v3 =	vld.idx.msk [tilespmem:v3+s20+$0x0], $0xffff  }
0x6e: {  	v8 =	vld.idx.msk [tilespmem:v8+s20+$0x0], $0xffff;
	_ =	sdelay $0x2  }
0x6f: {  	v9 =	vsub.f32 v9, v10;
	v6 =	vsub.f32 v7, v6;
	_ =	sdelay $0x1  }
0x70: {  	v7 =	vmul.f32 v9, v9;
	v6 =	vmul.f32 v6, v6;
	v3 =	vsub.f32 v8, v3;
	_ =	sdelay $0x1  }
0x71: {  	v6 =	vadd.f32 v6, v7;
	v3 =	vmul.f32 v3, v3;
	_ =	sdelay $0x1  }
0x72: {  	v3 =	vadd.f32 v3, v6;
	_ =	sdelay $0x1  }
0x73: {  	v3 =	vadd.f32 $9.999999970e-07, v3;
	_ =	sdelay $0x1  }
0x74: {  	v6 =	vshrl.u32 v3, $0x1;
	v3 =	vmul.f32 $5.000000000e-01, v3  }
0x75: {  	v6 =	vsub.s32 $0x5F3759DF, v6  }
0x76: {  	v7 =	vor.u32 $0x4, v5;
	v8 =	vmul.f32 v6, v3  }
0x77: {  	v9 =	vor.u32 $0x4, v4  }
0x78: {  	v8 =	vmul.f32 v6, v8;
	_ =	sdelay $0x1  }
0x79: {  	v8 =	vsub.f32 $1.500000000e+00, v8  }
0x7a: {  	v7 =	vld.idx.msk [tilespmem:v7+s20+$0x0], $0xffff  }
0x7b: {  	v9 =	vld.idx.msk [tilespmem:v9+s20+$0x0], $0xffff;
	v6 =	vmul.f32 v6, v8;
	_ =	sdelay $0x1  }
0x7c: {  	v8 =	vmul.f32 v6, v3;
	_ =	sdelay $0x1  }
0x7d: {  	v7 =	vtrunc.f32 v7;
	v8 =	vmul.f32 v8, v6  }
0x7e: {  	v9 =	vtrunc.f32 v9;
	v7 =	vcvt.f32.s32 v7  }
0x7f: {  	v9 =	vcvt.f32.s32 v9;
	v8 =	vsub.f32 $1.500000000e+00, v8  }
0x80: {  	v7 =	vshll.u32 v7, $0x4  }
0x81: {  	v7 =	vadd.s32 v9, v7;
	v6 =	vmul.f32 v8, v6;
	_ =	sdelay $0x1  }
0x82: {  	v3 =	vmul.f32 v6, v3;
	_ =	sdelay $0x1  }
0x83: {  	v3 =	vmul.f32 v3, v6  }
0x84: {  	v8 =	vld.idx.msk [tilespmem:v7+s16+$0x0], $0xffff  }
0x85: {  	v3 =	vsub.f32 $1.500000000e+00, v3;
	_ =	sdelay $0x1  }
0x86: {  	v5 =	vor.u32 $0x3, v5;
	v3 =	vmul.f32 v3, v6  }
0x87: {  	v4 =	vor.u32 $0x3, v4  }
0x88: {  	v8 =	vmul.f32 v8, v8;
	v6 =	vmul.f32 v3, v3;
	_ =	sdelay $0x1  }
0x89: {  	v6 =	vmul.f32 v6, v8  }
0x8a: {  	v5 =	vld.idx.msk [tilespmem:v5+s20+$0x0], $0xffff  }
0x8b: {  	v4 =	vld.idx.msk [tilespmem:v4+s20+$0x0], $0xffff;
	v8 =	vmul.f32 v6, v6  }
0x8c: {  	v7 =	vld.idx.msk [tilespmem:v7+s14+$0x0], $0xffff  }
0x8d: {  	v6 =	vmul.f32 v8, v6;
	_ =	sdelay $0x1  }
0x8e: {  	v5 =	vmul.f32 $3.320731810e+02, v5;
	v8 =	vmul.f32 v6, v6  }
0x8f: {  	v9 =	vld [tilespmem:s3+$0xFFFFFFF0]  }
0x90: {  	v4 =	vmul.f32 v4, v5;
	v5 =	vmul.f32 $4.000000000e+00, v7;
	v7 =	vld [tilespmem:s2+$0xFFFFFC10];
	v6 =	vsub.f32 v8, v6  }
0x91: {  	s12 =	simm.s32 $0x20;
	v8 =	vld [tilespmem:s2+$0x10]  }
0x92: {  	v3 =	vmul.f32 v3, v4;
	v4 =	vmul.f32 v6, v5;
	v5 =	vmov s12  }
0x93: {  	v5 =	vshll.u32 v5, $0x3  }
0x94: {  	v6 =	vmul.f32 $5.000000000e-01, v9;
	v3 =	vadd.f32 v4, v3;
	v4 =	vor.u32 v2, v5  }
0x95: {  	v9 =	vor.u32 $0x1, v4  }
0x96: {  	v3 =	vmul.f32 v3, v6  }
0x97: {  	v5 =	vor.u32 v0, v5  }
0x98: {  	v6 =	vor.u32 $0x1, v5;
	[tilespmem:v7+s17+$0x0] =	vst.idx.add.f32.msk $0xffff, v3  }
0x99: {  	v7 =	vor.u32 $0x2, v5;
	[tilespmem:v8+s17+$0x0] =	vst.idx.add.f32.msk $0xffff, v3  }
0x9a: {  	v3 =	vor.u32 $0x2, v4;
	v8 =	vld.idx.msk [tilespmem:v9+s20+$0x0], $0xffff  }
0x9b: {  	v9 =	vld.idx.msk [tilespmem:v4+s20+$0x0], $0xffff  }
0x9c: {  	v10 =	vld.idx.msk [tilespmem:v5+s20+$0x0], $0xffff  }
0x9d: {  	v6 =	vld.idx.msk [tilespmem:v6+s20+$0x0], $0xffff  }
0x9e: {  	v7 =	vld.idx.msk [tilespmem:v7+s20+$0x0], $0xffff  }
0x9f: {  	v3 =	vld.idx.msk [tilespmem:v3+s20+$0x0], $0xffff;
	_ =	sdelay $0x2  }
0xa0: {  	v6 =	vsub.f32 v8, v6;
	v8 =	vsub.f32 v9, v10;
	_ =	sdelay $0x1  }
0xa1: {  	v6 =	vmul.f32 v6, v6;
	v3 =	vsub.f32 v3, v7;
	v7 =	vmul.f32 v8, v8;
	_ =	sdelay $0x1  }
0xa2: {  	v6 =	vadd.f32 v6, v7;
	v3 =	vmul.f32 v3, v3;
	_ =	sdelay $0x1  }
0xa3: {  	v3 =	vadd.f32 v3, v6;
	_ =	sdelay $0x1  }
0xa4: {  	v3 =	vadd.f32 $9.999999970e-07, v3;
	_ =	sdelay $0x1  }
0xa5: {  	v6 =	vshrl.u32 v3, $0x1;
	v3 =	vmul.f32 $5.000000000e-01, v3  }
0xa6: {  	v6 =	vsub.s32 $0x5F3759DF, v6  }
0xa7: {  	v7 =	vor.u32 $0x4, v5;
	v8 =	vmul.f32 v6, v3  }
0xa8: {  	v9 =	vor.u32 $0x4, v4  }
0xa9: {  	v8 =	vmul.f32 v6, v8;
	_ =	sdelay $0x1  }
0xaa: {  	v8 =	vsub.f32 $1.500000000e+00, v8  }
0xab: {  	v7 =	vld.idx.msk [tilespmem:v7+s20+$0x0], $0xffff  }
0xac: {  	v9 =	vld.idx.msk [tilespmem:v9+s20+$0x0], $0xffff;
	v6 =	vmul.f32 v6, v8;
	_ =	sdelay $0x1  }
0xad: {  	v8 =	vmul.f32 v6, v3;
	_ =	sdelay $0x1  }
0xae: {  	v7 =	vtrunc.f32 v7;
	v8 =	vmul.f32 v8, v6  }
0xaf: {  	v9 =	vtrunc.f32 v9;
	v7 =	vcvt.f32.s32 v7  }
0xb0: {  	v9 =	vcvt.f32.s32 v9;
	v8 =	vsub.f32 $1.500000000e+00, v8  }
0xb1: {  	v7 =	vshll.u32 v7, $0x4  }
0xb2: {  	v7 =	vadd.s32 v9, v7;
	v6 =	vmul.f32 v8, v6;
	_ =	sdelay $0x1  }
0xb3: {  	v3 =	vmul.f32 v6, v3;
	_ =	sdelay $0x1  }
0xb4: {  	v3 =	vmul.f32 v3, v6  }
0xb5: {  	v8 =	vld.idx.msk [tilespmem:v7+s16+$0x0], $0xffff  }
0xb6: {  	v3 =	vsub.f32 $1.500000000e+00, v3;
	_ =	sdelay $0x1  }
0xb7: {  	v5 =	vor.u32 $0x3, v5;
	v3 =	vmul.f32 v3, v6  }
0xb8: {  	v4 =	vor.u32 $0x3, v4  }
0xb9: {  	v8 =	vmul.f32 v8, v8;
	v6 =	vmul.f32 v3, v3;
	_ =	sdelay $0x1  }
0xba: {  	v6 =	vmul.f32 v6, v8  }
0xbb: {  	v5 =	vld.idx.msk [tilespmem:v5+s20+$0x0], $0xffff  }
0xbc: {  	v4 =	vld.idx.msk [tilespmem:v4+s20+$0x0], $0xffff;
	v8 =	vmul.f32 v6, v6  }
0xbd: {  	v7 =	vld.idx.msk [tilespmem:v7+s14+$0x0], $0xffff  }
0xbe: {  	v6 =	vmul.f32 v8, v6;
	_ =	sdelay $0x1  }
0xbf: {  	v5 =	vmul.f32 $3.320731810e+02, v5;
	v8 =	vmul.f32 v6, v6  }
0xc0: {  	v9 =	vld [tilespmem:s3+$0x0]  }
0xc1: {  	v4 =	vmul.f32 v4, v5;
	v5 =	vmul.f32 $4.000000000e+00, v7;
	v7 =	vld [tilespmem:s2+$0xFFFFFC20];
	v6 =	vsub.f32 v8, v6  }
0xc2: {  	v8 =	vld [tilespmem:s2+$0x20]  }
0xc3: {  	s13 =	simm.s32 $0x30;
	v3 =	vmul.f32 v3, v4;
	v4 =	vmul.f32 v6, v5  }
0xc4: {  	v5 =	vmov s13  }
0xc5: {  	v6 =	vmul.f32 $5.000000000e-01, v9;
	v3 =	vadd.f32 v4, v3;
	v4 =	vshll.u32 v5, $0x3  }
0xc6: {  	v5 =	vor.u32 v0, v4  }
0xc7: {  	v4 =	vor.u32 v2, v4;
	v3 =	vmul.f32 v3, v6  }
0xc8: {  	v6 =	vor.u32 $0x1, v5  }
0xc9: {  	[tilespmem:v7+s17+$0x0] =	vst.idx.add.f32.msk $0xffff, v3;
	v7 =	vor.u32 $0x1, v4  }
0xca: {  	v9 =	vor.u32 $0x2, v5;
	[tilespmem:v8+s17+$0x0] =	vst.idx.add.f32.msk $0xffff, v3  }
0xcb: {  	v3 =	vor.u32 $0x2, v4;
	v8 =	vld.idx.msk [tilespmem:v5+s20+$0x0], $0xffff  }
0xcc: {  	v10 =	vld.idx.msk [tilespmem:v4+s20+$0x0], $0xffff  }
0xcd: {  	v6 =	vld.idx.msk [tilespmem:v6+s20+$0x0], $0xffff  }
0xce: {  	v7 =	vld.idx.msk [tilespmem:v7+s20+$0x0], $0xffff  }
0xcf: {  	v9 =	vld.idx.msk [tilespmem:v9+s20+$0x0], $0xffff  }
0xd0: {  	v3 =	vld.idx.msk [tilespmem:v3+s20+$0x0], $0xffff;
	_ =	sdelay $0x2  }
0xd1: {  	v8 =	vsub.f32 v10, v8;
	v6 =	vsub.f32 v7, v6;
	_ =	sdelay $0x1  }
0xd2: {  	v7 =	vmul.f32 v8, v8;
	v3 =	vsub.f32 v3, v9;
	v6 =	vmul.f32 v6, v6;
	_ =	sdelay $0x1  }
0xd3: {  	v3 =	vmul.f32 v3, v3;
	v6 =	vadd.f32 v6, v7;
	_ =	sdelay $0x1  }
0xd4: {  	v3 =	vadd.f32 v3, v6;
	_ =	sdelay $0x1  }
0xd5: {  	v3 =	vadd.f32 $9.999999970e-07, v3;
	_ =	sdelay $0x1  }
0xd6: {  	v6 =	vshrl.u32 v3, $0x1;
	v3 =	vmul.f32 $5.000000000e-01, v3  }
0xd7: {  	v6 =	vsub.s32 $0x5F3759DF, v6  }
0xd8: {  	v7 =	vor.u32 $0x4, v5;
	v8 =	vmul.f32 v6, v3  }
0xd9: {  	v9 =	vor.u32 $0x4, v4  }
0xda: {  	v8 =	vmul.f32 v6, v8;
	_ =	sdelay $0x1  }
0xdb: {  	v8 =	vsub.f32 $1.500000000e+00, v8  }
0xdc: {  	v7 =	vld.idx.msk [tilespmem:v7+s20+$0x0], $0xffff  }
0xdd: {  	v9 =	vld.idx.msk [tilespmem:v9+s20+$0x0], $0xffff;
	v6 =	vmul.f32 v6, v8;
	_ =	sdelay $0x1  }
0xde: {  	v8 =	vmul.f32 v6, v3;
	_ =	sdelay $0x1  }
0xdf: {  	v7 =	vtrunc.f32 v7;
	v8 =	vmul.f32 v8, v6  }
0xe0: {  	v9 =	vtrunc.f32 v9;
	v7 =	vcvt.f32.s32 v7  }
0xe1: {  	v9 =	vcvt.f32.s32 v9;
	v8 =	vsub.f32 $1.500000000e+00, v8  }
0xe2: {  	v7 =	vshll.u32 v7, $0x4  }
0xe3: {  	v10 =	vadd.s32 v9, v7;
	v7 =	vmul.f32 v8, v6;
	_ =	sdelay $0x1  }
0xe4: {  	v5 =	vor.u32 $0x3, v5;
	v3 =	vmul.f32 v7, v3;
	_ =	sdelay $0x1  }
0xe5: {  	v4 =	vor.u32 $0x3, v4;
	v3 =	vmul.f32 v3, v7  }
0xe6: {  	v8 =	vld.idx.msk [tilespmem:v10+s16+$0x0], $0xffff  }
0xe7: {  	v3 =	vsub.f32 $1.500000000e+00, v3  }
0xe8: {  	v11 =	vld.idx.msk [tilespmem:v5+s20+$0x0], $0xffff  }
0xe9: {  	v5 =	vld [tilespmem:s3+$0x10];
	v9 =	vmul.f32 v3, v7  }
0xea: {  	v6 =	vld.idx.msk [tilespmem:v4+s20+$0x0], $0xffff  }
0xeb: {  	v4 =	vld [tilespmem:s2+$0x30];
	v13 =	vmul.f32 v8, v8;
	v12 =	vmul.f32 v9, v9  }
0xec: {  	v8 =	vld.idx.msk [tilespmem:v10+s14+$0x0], $0xffff  }
0xed: {  	s29 =	smov.u32 s3;
	s28 =	smov.u32 s2;
	s1 =	simm.s32 $0x40;
	v3 =	vld [tilespmem:s2+$0xFFFFFC30];
	v7 =	vmul.f32 $3.320731810e+02, v11;
	v10 =	vmul.f32 v12, v13  }
.LBB2_6:
0xee: {  	p0 =	sne.s32 s1, $0x3C0;
	s28 =	sadd.s32 $0x40, s28;
	s29 =	sadd.s32 $0x40, s29  }
0xef: {  	s12 =	smov.u32 s1;
	s1 =	sadd.s32 $0x40, s1;
	v11 =	vmul.f32 v10, v10;
	_ =	sdelay $0x1  }
0xf0: {  	v10 =	vmul.f32 v11, v10;
	_ =	sdelay $0x1  }
0xf1: {  	v11 =	vmul.f32 v10, v10  }
0xf2: {  	v6 =	vmul.f32 v6, v7  }
0xf3: {  	v7 =	vmul.f32 $4.000000000e+00, v8;
	v8 =	vsub.f32 v11, v10  }
0xf4: {  	v6 =	vmul.f32 v9, v6  }
0xf5: {  	v7 =	vmul.f32 v8, v7  }
0xf6: {  	v8 =	vmov s12  }
0xf7: {  	v5 =	vmul.f32 $5.000000000e-01, v5;
	v8 =	vshll.u32 v8, $0x3;
	v6 =	vadd.f32 v7, v6  }
0xf8: {  	v7 =	vor.u32 v0, v8;
	v8 =	vor.u32 v2, v8  }
0xf9: {  	v9 =	vor.u32 $0x1, v7;
	v10 =	vor.u32 $0x1, v8;
	v5 =	vmul.f32 v6, v5  }
0xfa: {  	v11 =	vor.u32 $0x4, v7;
	v12 =	vor.u32 $0x4, v8;
	v6 =	vor.u32 $0x2, v8  }
0xfb: {  	v13 =	vor.u32 $0x3, v7;
	v14 =	vor.u32 $0x3, v8;
	[tilespmem:v3+s17+$0x0] =	vst.idx.add.f32.msk $0xffff, v5  }
0xfc: {  	[tilespmem:v4+s17+$0x0] =	vst.idx.add.f32.msk $0xffff, v5  }
0xfd: {  	v4 =	vor.u32 $0x2, v7;
	v3 =	vld.idx.msk [tilespmem:v7+s20+$0x0], $0xffff  }
0xfe: {  	v5 =	vld.idx.msk [tilespmem:v8+s20+$0x0], $0xffff  }
0xff: {  	v7 =	vld.idx.msk [tilespmem:v9+s20+$0x0], $0xffff  }
0x100: {  	v8 =	vld.idx.msk [tilespmem:v10+s20+$0x0], $0xffff  }
0x101: {  	v6 =	vld.idx.msk [tilespmem:v6+s20+$0x0], $0xffff  }
0x102: {  	v4 =	vld.idx.msk [tilespmem:v4+s20+$0x0], $0xffff;
	_ =	sdelay $0x1  }
0x103: {  	v3 =	vsub.f32 v5, v3;
	_ =	sdelay $0x1  }
0x104: {  	v5 =	vsub.f32 v8, v7;
	_ =	sdelay $0x1  }
0x105: {  	v3 =	vmul.f32 v3, v3;
	v4 =	vsub.f32 v6, v4;
	v5 =	vmul.f32 v5, v5;
	_ =	sdelay $0x1  }
0x106: {  	v3 =	vadd.f32 v5, v3;
	v4 =	vmul.f32 v4, v4;
	_ =	sdelay $0x1  }
0x107: {  	v3 =	vadd.f32 v4, v3;
	_ =	sdelay $0x1  }
0x108: {  	v3 =	vadd.f32 $9.999999970e-07, v3;
	_ =	sdelay $0x1  }
0x109: {  	v4 =	vshrl.u32 v3, $0x1;
	v3 =	vmul.f32 $5.000000000e-01, v3  }
0x10a: {  	v4 =	vsub.s32 $0x5F3759DF, v4  }
0x10b: {  	v5 =	vmul.f32 v4, v3;
	_ =	sdelay $0x1  }
0x10c: {  	v5 =	vmul.f32 v4, v5  }
0x10d: {  	v6 =	vld.idx.msk [tilespmem:v11+s20+$0x0], $0xffff  }
0x10e: {  	v5 =	vsub.f32 $1.500000000e+00, v5;
	v7 =	vld.idx.msk [tilespmem:v12+s20+$0x0], $0xffff;
	_ =	sdelay $0x1  }
0x10f: {  	v4 =	vmul.f32 v4, v5;
	_ =	sdelay $0x1  }
0x110: {  	v5 =	vmul.f32 v4, v3  }
0x111: {  	v6 =	vtrunc.f32 v6  }
0x112: {  	v6 =	vcvt.f32.s32 v6;
	v5 =	vmul.f32 v5, v4  }
0x113: {  	v7 =	vtrunc.f32 v7  }
0x114: {  	v7 =	vcvt.f32.s32 v7;
	v5 =	vsub.f32 $1.500000000e+00, v5;
	v6 =	vshll.u32 v6, $0x4;
	_ =	sdelay $0x1  }
0x115: {  	v4 =	vmul.f32 v5, v4;
	v5 =	vadd.s32 v7, v6;
	_ =	sdelay $0x1  }
0x116: {  	v3 =	vmul.f32 v4, v3;
	_ =	sdelay $0x1  }
0x117: {  	v3 =	vmul.f32 v3, v4  }
0x118: {  	v6 =	vld.idx.msk [tilespmem:v5+s16+$0x0], $0xffff  }
0x119: {  	v3 =	vsub.f32 $1.500000000e+00, v3;
	_ =	sdelay $0x1  }
0x11a: {  	v3 =	vmul.f32 v3, v4;
	_ =	sdelay $0x1  }
0x11b: {  	v4 =	vmul.f32 v3, v3  }
0x11c: {  	v6 =	vmul.f32 v6, v6  }
0x11d: {  	v7 =	vld.idx.msk [tilespmem:v13+s20+$0x0], $0xffff  }
0x11e: {  	v4 =	vmul.f32 v4, v6  }
0x11f: {  	v6 =	vld.idx.msk [tilespmem:v14+s20+$0x0], $0xffff  }
0x120: {  	v8 =	vmul.f32 v4, v4;
	v5 =	vld.idx.msk [tilespmem:v5+s14+$0x0], $0xffff;
	_ =	sdelay $0x1  }
0x121: {  	v4 =	vmul.f32 v8, v4  }
0x122: {  	v7 =	vmul.f32 $3.320731810e+02, v7  }
0x123: {  	v8 =	vmul.f32 v4, v4  }
0x124: {  	v6 =	vmul.f32 v6, v7;
	v7 =	vld [tilespmem:s29+$0xFFFFFFE0]  }
0x125: {  	v5 =	vmul.f32 $4.000000000e+00, v5;
	v4 =	vsub.f32 v8, v4;
	v8 =	vld [tilespmem:s28+$0xFFFFFC00]  }
0x126: {  	s13 =	sadd.s32 $0x10, s12;
	v3 =	vmul.f32 v3, v6;
	v6 =	vld [tilespmem:s28+$0x0]  }
0x127: {  	v4 =	vmul.f32 v4, v5;
	v5 =	vmov s13  }
0x128: {  	v5 =	vshll.u32 v5, $0x3  }
0x129: {  	v3 =	vadd.f32 v4, v3;
	v4 =	vor.u32 v2, v5;
	v7 =	vmul.f32 $5.000000000e-01, v7  }
0x12a: {  	v9 =	vor.u32 $0x1, v4  }
0x12b: {  	v3 =	vmul.f32 v3, v7  }
0x12c: {  	v5 =	vor.u32 v0, v5  }
0x12d: {  	v7 =	vor.u32 $0x1, v5;
	[tilespmem:v8+s17+$0x0] =	vst.idx.add.f32.msk $0xffff, v3  }
0x12e: {  	[tilespmem:v6+s17+$0x0] =	vst.idx.add.f32.msk $0xffff, v3;
	v3 =	vor.u32 $0x2, v5  }
0x12f: {  	v8 =	vor.u32 $0x2, v4;
	v6 =	vld.idx.msk [tilespmem:v9+s20+$0x0], $0xffff  }
0x130: {  	v9 =	vld.idx.msk [tilespmem:v4+s20+$0x0], $0xffff  }
0x131: {  	v10 =	vld.idx.msk [tilespmem:v5+s20+$0x0], $0xffff  }
0x132: {  	v7 =	vld.idx.msk [tilespmem:v7+s20+$0x0], $0xffff  }
0x133: {  	v3 =	vld.idx.msk [tilespmem:v3+s20+$0x0], $0xffff  }
0x134: {  	v8 =	vld.idx.msk [tilespmem:v8+s20+$0x0], $0xffff;
	_ =	sdelay $0x2  }
0x135: {  	v9 =	vsub.f32 v9, v10  }
0x136: {  	v6 =	vsub.f32 v6, v7  }
0x137: {  	v7 =	vmul.f32 v9, v9  }
0x138: {  	v3 =	vsub.f32 v8, v3;
	v6 =	vmul.f32 v6, v6;
	_ =	sdelay $0x1  }
0x139: {  	v6 =	vadd.f32 v6, v7;
	v3 =	vmul.f32 v3, v3;
	_ =	sdelay $0x1  }
0x13a: {  	v3 =	vadd.f32 v3, v6;
	_ =	sdelay $0x1  }
0x13b: {  	v3 =	vadd.f32 $9.999999970e-07, v3;
	_ =	sdelay $0x1  }
0x13c: {  	v6 =	vor.u32 $0x4, v5;
	v7 =	vshrl.u32 v3, $0x1;
	v3 =	vmul.f32 $5.000000000e-01, v3  }
0x13d: {  	v8 =	vor.u32 $0x4, v4;
	v7 =	vsub.s32 $0x5F3759DF, v7  }
0x13e: {  	v9 =	vmul.f32 v7, v3;
	_ =	sdelay $0x1  }
0x13f: {  	v9 =	vmul.f32 v7, v9  }
0x140: {  	v6 =	vld.idx.msk [tilespmem:v6+s20+$0x0], $0xffff  }
0x141: {  	v9 =	vsub.f32 $1.500000000e+00, v9;
	v8 =	vld.idx.msk [tilespmem:v8+s20+$0x0], $0xffff;
	_ =	sdelay $0x1  }
0x142: {  	v7 =	vmul.f32 v7, v9;
	_ =	sdelay $0x1  }
0x143: {  	v9 =	vmul.f32 v7, v3  }
0x144: {  	v6 =	vtrunc.f32 v6  }
0x145: {  	v6 =	vcvt.f32.s32 v6;
	v9 =	vmul.f32 v9, v7  }
0x146: {  	v8 =	vtrunc.f32 v8  }
0x147: {  	v8 =	vcvt.f32.s32 v8;
	v9 =	vsub.f32 $1.500000000e+00, v9;
	v6 =	vshll.u32 v6, $0x4;
	_ =	sdelay $0x1  }
0x148: {  	v6 =	vadd.s32 v8, v6;
	v7 =	vmul.f32 v9, v7;
	_ =	sdelay $0x1  }
0x149: {  	v3 =	vmul.f32 v7, v3;
	_ =	sdelay $0x1  }
0x14a: {  	v3 =	vmul.f32 v3, v7  }
0x14b: {  	v8 =	vld.idx.msk [tilespmem:v6+s16+$0x0], $0xffff  }
0x14c: {  	v3 =	vsub.f32 $1.500000000e+00, v3  }
0x14d: {  	v5 =	vor.u32 $0x3, v5  }
0x14e: {  	v3 =	vmul.f32 v3, v7  }
0x14f: {  	v4 =	vor.u32 $0x3, v4  }
0x150: {  	v7 =	vmul.f32 v3, v3  }
0x151: {  	v8 =	vmul.f32 v8, v8  }
0x152: {  	v5 =	vld.idx.msk [tilespmem:v5+s20+$0x0], $0xffff  }
0x153: {  	v7 =	vmul.f32 v7, v8  }
0x154: {  	v4 =	vld.idx.msk [tilespmem:v4+s20+$0x0], $0xffff  }
0x155: {  	v8 =	vmul.f32 v7, v7;
	v6 =	vld.idx.msk [tilespmem:v6+s14+$0x0], $0xffff;
	_ =	sdelay $0x1  }
0x156: {  	v7 =	vmul.f32 v8, v7  }
0x157: {  	v5 =	vmul.f32 $3.320731810e+02, v5  }
0x158: {  	v8 =	vmul.f32 v7, v7  }
0x159: {  	v4 =	vmul.f32 v4, v5;
	v5 =	vld [tilespmem:s29+$0xFFFFFFF0]  }
0x15a: {  	v6 =	vmul.f32 $4.000000000e+00, v6;
	v7 =	vsub.f32 v8, v7;
	v8 =	vld [tilespmem:s28+$0xFFFFFC10]  }
0x15b: {  	s13 =	sadd.s32 $0x20, s12;
	v3 =	vmul.f32 v3, v4;
	v4 =	vld [tilespmem:s28+$0x10]  }
0x15c: {  	v6 =	vmul.f32 v7, v6;
	v7 =	vmov s13  }
0x15d: {  	v7 =	vshll.u32 v7, $0x3  }
0x15e: {  	v3 =	vadd.f32 v6, v3;
	v6 =	vor.u32 v2, v7;
	v5 =	vmul.f32 $5.000000000e-01, v5  }
0x15f: {  	v7 =	vor.u32 v0, v7;
	v9 =	vor.u32 $0x1, v6  }
0x160: {  	v3 =	vmul.f32 v3, v5;
	v5 =	vor.u32 $0x1, v7;
	_ =	sdelay $0x1  }
0x161: {  	[tilespmem:v8+s17+$0x0] =	vst.idx.add.f32.msk $0xffff, v3  }
0x162: {  	[tilespmem:v4+s17+$0x0] =	vst.idx.add.f32.msk $0xffff, v3;
	v3 =	vor.u32 $0x2, v6  }
0x163: {  	v4 =	vor.u32 $0x2, v7;
	v8 =	vld.idx.msk [tilespmem:v9+s20+$0x0], $0xffff  }
0x164: {  	v5 =	vld.idx.msk [tilespmem:v5+s20+$0x0], $0xffff  }
0x165: {  	v9 =	vld.idx.msk [tilespmem:v6+s20+$0x0], $0xffff  }
0x166: {  	v10 =	vld.idx.msk [tilespmem:v7+s20+$0x0], $0xffff  }
0x167: {  	v3 =	vld.idx.msk [tilespmem:v3+s20+$0x0], $0xffff  }
0x168: {  	v4 =	vld.idx.msk [tilespmem:v4+s20+$0x0], $0xffff;
	_ =	sdelay $0x1  }
0x169: {  	v5 =	vsub.f32 v8, v5;
	_ =	sdelay $0x1  }
0x16a: {  	v8 =	vsub.f32 v9, v10  }
0x16b: {  	v5 =	vmul.f32 v5, v5  }
0x16c: {  	v3 =	vsub.f32 v3, v4;
	v4 =	vmul.f32 v8, v8;
	_ =	sdelay $0x1  }
0x16d: {  	v4 =	vadd.f32 v5, v4;
	v3 =	vmul.f32 v3, v3;
	_ =	sdelay $0x1  }
0x16e: {  	v3 =	vadd.f32 v3, v4;
	_ =	sdelay $0x1  }
0x16f: {  	v3 =	vadd.f32 $9.999999970e-07, v3;
	_ =	sdelay $0x1  }
0x170: {  	v4 =	vor.u32 $0x4, v7;
	v5 =	vshrl.u32 v3, $0x1;
	v3 =	vmul.f32 $5.000000000e-01, v3  }
0x171: {  	v8 =	vor.u32 $0x4, v6;
	v5 =	vsub.s32 $0x5F3759DF, v5  }
0x172: {  	v9 =	vmul.f32 v5, v3;
	_ =	sdelay $0x1  }
0x173: {  	v9 =	vmul.f32 v5, v9  }
0x174: {  	v4 =	vld.idx.msk [tilespmem:v4+s20+$0x0], $0xffff  }
0x175: {  	v9 =	vsub.f32 $1.500000000e+00, v9;
	v8 =	vld.idx.msk [tilespmem:v8+s20+$0x0], $0xffff;
	_ =	sdelay $0x1  }
0x176: {  	v5 =	vmul.f32 v5, v9;
	_ =	sdelay $0x1  }
0x177: {  	v9 =	vmul.f32 v5, v3  }
0x178: {  	v4 =	vtrunc.f32 v4  }
0x179: {  	v4 =	vcvt.f32.s32 v4;
	v9 =	vmul.f32 v9, v5  }
0x17a: {  	v8 =	vtrunc.f32 v8  }
0x17b: {  	v8 =	vcvt.f32.s32 v8;
	v9 =	vsub.f32 $1.500000000e+00, v9;
	v4 =	vshll.u32 v4, $0x4;
	_ =	sdelay $0x1  }
0x17c: {  	v4 =	vadd.s32 v8, v4;
	v5 =	vmul.f32 v9, v5;
	_ =	sdelay $0x1  }
0x17d: {  	v3 =	vmul.f32 v5, v3;
	_ =	sdelay $0x1  }
0x17e: {  	v3 =	vmul.f32 v3, v5  }
0x17f: {  	v8 =	vld.idx.msk [tilespmem:v4+s16+$0x0], $0xffff  }
0x180: {  	v3 =	vsub.f32 $1.500000000e+00, v3;
	v4 =	vld.idx.msk [tilespmem:v4+s14+$0x0], $0xffff  }
0x181: {  	v7 =	vor.u32 $0x3, v7  }
0x182: {  	v3 =	vmul.f32 v3, v5  }
0x183: {  	v5 =	vor.u32 $0x3, v6  }
0x184: {  	v6 =	vmul.f32 v3, v3  }
0x185: {  	v8 =	vmul.f32 v8, v8  }
0x186: {  	v7 =	vld.idx.msk [tilespmem:v7+s20+$0x0], $0xffff  }
0x187: {  	v6 =	vmul.f32 v6, v8  }
0x188: {  	v5 =	vld.idx.msk [tilespmem:v5+s20+$0x0], $0xffff  }
0x189: {  	v8 =	vmul.f32 v6, v6;
	_ =	sdelay $0x1  }
0x18a: {  	v6 =	vmul.f32 v8, v6  }
0x18b: {  	v7 =	vmul.f32 $3.320731810e+02, v7  }
0x18c: {  	v8 =	vmul.f32 v6, v6  }
0x18d: {  	v5 =	vmul.f32 v5, v7;
	v7 =	vld [tilespmem:s29+$0x0]  }
0x18e: {  	v4 =	vmul.f32 $4.000000000e+00, v4;
	v6 =	vsub.f32 v8, v6;
	v8 =	vld [tilespmem:s28+$0xFFFFFC20]  }
0x18f: {  	v3 =	vmul.f32 v3, v5;
	v5 =	vld [tilespmem:s28+$0x20]  }
0x190: {  	s12 =	sadd.s32 $0x30, s12;
	v4 =	vmul.f32 v6, v4  }
0x191: {  	v6 =	vmov s12  }
0x192: {  	v3 =	vadd.f32 v4, v3;
	v4 =	vshll.u32 v6, $0x3;
	v7 =	vmul.f32 $5.000000000e-01, v7  }
0x193: {  	v6 =	vor.u32 v0, v4  }
0x194: {  	v3 =	vmul.f32 v3, v7;
	v7 =	vor.u32 $0x1, v6  }
0x195: {  	v4 =	vor.u32 v2, v4  }
0x196: {  	[tilespmem:v8+s17+$0x0] =	vst.idx.add.f32.msk $0xffff, v3;
	v8 =	vor.u32 $0x2, v6  }
0x197: {  	[tilespmem:v5+s17+$0x0] =	vst.idx.add.f32.msk $0xffff, v3;
	v3 =	vor.u32 $0x1, v4;
	v5 =	vor.u32 $0x2, v4  }
0x198: {  	v9 =	vld.idx.msk [tilespmem:v6+s20+$0x0], $0xffff  }
0x199: {  	v10 =	vor.u32 $0x4, v6;
	v7 =	vld.idx.msk [tilespmem:v7+s20+$0x0], $0xffff  }
0x19a: {  	v12 =	vor.u32 $0x4, v4;
	v11 =	vld.idx.msk [tilespmem:v4+s20+$0x0], $0xffff  }
0x19b: {  	v6 =	vor.u32 $0x3, v6;
	v8 =	vld.idx.msk [tilespmem:v8+s20+$0x0], $0xffff  }
0x19c: {  	v4 =	vor.u32 $0x3, v4;
	v5 =	vld.idx.msk [tilespmem:v5+s20+$0x0], $0xffff  }
0x19d: {  	v3 =	vld.idx.msk [tilespmem:v3+s20+$0x0], $0xffff  }
0x19e: {  	v10 =	vld.idx.msk [tilespmem:v10+s20+$0x0], $0xffff  }
0x19f: {  	v12 =	vld.idx.msk [tilespmem:v12+s20+$0x0], $0xffff  }
0x1a0: {  	v9 =	vsub.f32 v11, v9;
	v13 =	vld.idx.msk [tilespmem:v6+s20+$0x0], $0xffff  }
0x1a1: {  	v6 =	vld.idx.msk [tilespmem:v4+s20+$0x0], $0xffff  }
0x1a2: {  	v8 =	vsub.f32 v5, v8;
	v9 =	vmul.f32 v9, v9;
	v5 =	vld [tilespmem:s29+$0x10]  }
0x1a3: {  	v7 =	vsub.f32 v3, v7;
	v3 =	vld [tilespmem:s28+$0xFFFFFC30]  }
0x1a4: {  	v10 =	vtrunc.f32 v10;
	v4 =	vld [tilespmem:s28+$0x30]  }
0x1a5: {  	v10 =	vcvt.f32.s32 v10;
	v7 =	vmul.f32 v7, v7  }
0x1a6: {  	v8 =	vmul.f32 v8, v8;
	v11 =	vtrunc.f32 v12  }
0x1a7: {  	v11 =	vcvt.f32.s32 v11;
	v9 =	vadd.f32 v7, v9;
	v10 =	vshll.u32 v10, $0x4  }
0x1a8: {  	v7 =	vmul.f32 $3.320731810e+02, v13  }
0x1a9: {  	v8 =	vadd.f32 v8, v9;
	v9 =	vadd.s32 v11, v10;
	_ =	sdelay $0x1  }
0x1aa: {  	v8 =	vadd.f32 $9.999999970e-07, v8;
	_ =	sdelay $0x1  }
0x1ab: {  	v10 =	vshrl.u32 v8, $0x1;
	v11 =	vmul.f32 $5.000000000e-01, v8  }
0x1ac: {  	v10 =	vsub.s32 $0x5F3759DF, v10;
	v12 =	vld.idx.msk [tilespmem:v9+s16+$0x0], $0xffff  }
0x1ad: {  	v13 =	vmul.f32 v10, v11;
	v8 =	vld.idx.msk [tilespmem:v9+s14+$0x0], $0xffff;
	_ =	sdelay $0x1  }
0x1ae: {  	v9 =	vmul.f32 v10, v13;
	_ =	sdelay $0x1  }
0x1af: {  	v9 =	vsub.f32 $1.500000000e+00, v9;
	_ =	sdelay $0x1  }
0x1b0: {  	v9 =	vmul.f32 v10, v9;
	_ =	sdelay $0x1  }
0x1b1: {  	v10 =	vmul.f32 v9, v11;
	_ =	sdelay $0x1  }
0x1b2: {  	v10 =	vmul.f32 v10, v9;
	_ =	sdelay $0x1  }
0x1b3: {  	v10 =	vsub.f32 $1.500000000e+00, v10;
	_ =	sdelay $0x1  }
0x1b4: {  	v9 =	vmul.f32 v10, v9;
	_ =	sdelay $0x1  }
0x1b5: {  	v10 =	vmul.f32 v9, v11;
	_ =	sdelay $0x1  }
0x1b6: {  	v10 =	vmul.f32 v10, v9;
	_ =	sdelay $0x1  }
0x1b7: {  	v10 =	vsub.f32 $1.500000000e+00, v10;
	_ =	sdelay $0x1  }
.Ltmp1:
0x1b8: {  	v9 =	vmul.f32 v10, v9;
	(pc) =	sbr.rel @p0 .LBB2_6-.Ltmp1, $3  }
0x1b9: {  	_ = 	snop  }
0x1ba: {  	v11 =	vmul.f32 v12, v12;
	v10 =	vmul.f32 v9, v9;
	_ =	sdelay $0x1  }
0x1bb: {  	v10 =	vmul.f32 v10, v11  }
0x1bc: {  	_ = 	snop  }
0x1bd: {  	v11 =	vmul.f32 v10, v10;
	_ =	sdelay $0x1  }
0x1be: {  	v10 =	vmul.f32 v11, v10;
	_ =	sdelay $0x1  }
0x1bf: {  	v11 =	vmul.f32 v10, v10;
	_ =	sdelay $0x1  }
0x1c0: {  	v6 =	vmul.f32 v6, v7;
	v7 =	vmul.f32 $4.000000000e+00, v8;
	v8 =	vsub.f32 v11, v10;
	_ =	sdelay $0x1  }
0x1c1: {  	v6 =	vmul.f32 v9, v6;
	v7 =	vmul.f32 v8, v7;
	_ =	sdelay $0x1  }
0x1c2: {  	v5 =	vmul.f32 $5.000000000e-01, v5;
	v6 =	vadd.f32 v7, v6  }
0x1c3: {  	s1 =	simm.s32 $0x0  }
0x1c4: {  	v5 =	vmul.f32 v6, v5;
	v6 =	vmov s1  }
0x1c5: {  	v6 =	vshll.u32 v6, $0x3  }
0x1c6: {  	[tilespmem:v3+s17+$0x0] =	vst.idx.add.f32.msk $0xffff, v5;
	v3 =	vor.u32 v0, v6  }
0x1c7: {  	[tilespmem:v4+s17+$0x0] =	vst.idx.add.f32.msk $0xffff, v5;
	v4 =	vor.u32 v2, v6  }
0x1c8: {  	v5 =	vor.u32 $0x1, v3;
	_ =	swait.ge [sflag:s22], $0x4000  }
0x1c9: {  	v6 =	vor.u32 $0x1, v4;
	[sflag:s22] =	ssyncset.done $0x0  }
0x1ca: {  	v9 =	vor.u32 $0x2, v3;
	[sflag:s22] =	ssyncadd.s32 $0xFFFFC000  }
0x1cb: {  	v7 =	vor.u32 $0x2, v4;
	v8 =	vld.idx.msk [tilespmem:v3+s21+$0x0], $0xffff  }
0x1cc: {  	v10 =	vld.idx.msk [tilespmem:v4+s21+$0x0], $0xffff  }
0x1cd: {  	v5 =	vld.idx.msk [tilespmem:v5+s21+$0x0], $0xffff  }
0x1ce: {  	v6 =	vld.idx.msk [tilespmem:v6+s21+$0x0], $0xffff  }
0x1cf: {  	v9 =	vld.idx.msk [tilespmem:v9+s21+$0x0], $0xffff  }
0x1d0: {  	v7 =	vld.idx.msk [tilespmem:v7+s21+$0x0], $0xffff;
	_ =	sdelay $0x2  }
0x1d1: {  	v8 =	vsub.f32 v10, v8;
	v5 =	vsub.f32 v6, v5;
	_ =	sdelay $0x1  }
0x1d2: {  	v6 =	vsub.f32 v7, v9;
	v7 =	vmul.f32 v8, v8;
	v5 =	vmul.f32 v5, v5;
	_ =	sdelay $0x1  }
0x1d3: {  	v6 =	vmul.f32 v6, v6;
	v5 =	vadd.f32 v5, v7;
	_ =	sdelay $0x1  }
0x1d4: {  	v5 =	vadd.f32 v6, v5;
	_ =	sdelay $0x1  }
0x1d5: {  	v5 =	vadd.f32 $9.999999970e-07, v5;
	_ =	sdelay $0x1  }
0x1d6: {  	v6 =	vshrl.u32 v5, $0x1;
	v5 =	vmul.f32 $5.000000000e-01, v5  }
0x1d7: {  	v6 =	vsub.s32 $0x5F3759DF, v6  }
0x1d8: {  	v7 =	vor.u32 $0x4, v3;
	v8 =	vmul.f32 v6, v5  }
0x1d9: {  	v9 =	vor.u32 $0x4, v4  }
0x1da: {  	v8 =	vmul.f32 v6, v8;
	_ =	sdelay $0x1  }
0x1db: {  	v8 =	vsub.f32 $1.500000000e+00, v8  }
0x1dc: {  	v7 =	vld.idx.msk [tilespmem:v7+s21+$0x0], $0xffff  }
0x1dd: {  	v9 =	vld.idx.msk [tilespmem:v9+s21+$0x0], $0xffff;
	v6 =	vmul.f32 v6, v8;
	_ =	sdelay $0x1  }
0x1de: {  	v8 =	vmul.f32 v6, v5;
	_ =	sdelay $0x1  }
0x1df: {  	v7 =	vtrunc.f32 v7;
	v8 =	vmul.f32 v8, v6  }
0x1e0: {  	v9 =	vtrunc.f32 v9;
	v7 =	vcvt.f32.s32 v7  }
0x1e1: {  	v9 =	vcvt.f32.s32 v9;
	v8 =	vsub.f32 $1.500000000e+00, v8  }
0x1e2: {  	v7 =	vshll.u32 v7, $0x4  }
0x1e3: {  	v7 =	vadd.s32 v9, v7;
	v6 =	vmul.f32 v8, v6;
	_ =	sdelay $0x1  }
0x1e4: {  	v5 =	vmul.f32 v6, v5;
	_ =	sdelay $0x1  }
0x1e5: {  	v5 =	vmul.f32 v5, v6  }
0x1e6: {  	v8 =	vld.idx.msk [tilespmem:v7+s16+$0x0], $0xffff  }
0x1e7: {  	v5 =	vsub.f32 $1.500000000e+00, v5;
	_ =	sdelay $0x1  }
0x1e8: {  	v3 =	vor.u32 $0x3, v3;
	v5 =	vmul.f32 v5, v6  }
0x1e9: {  	v4 =	vor.u32 $0x3, v4  }
0x1ea: {  	v8 =	vmul.f32 v8, v8;
	v6 =	vmul.f32 v5, v5;
	_ =	sdelay $0x1  }
0x1eb: {  	v6 =	vmul.f32 v6, v8  }
0x1ec: {  	v3 =	vld.idx.msk [tilespmem:v3+s21+$0x0], $0xffff  }
0x1ed: {  	v4 =	vld.idx.msk [tilespmem:v4+s21+$0x0], $0xffff;
	v8 =	vmul.f32 v6, v6  }
0x1ee: {  	v7 =	vld.idx.msk [tilespmem:v7+s14+$0x0], $0xffff  }
0x1ef: {  	v6 =	vmul.f32 v8, v6;
	_ =	sdelay $0x1  }
0x1f0: {  	v3 =	vmul.f32 $3.320731810e+02, v3;
	v8 =	vmul.f32 v6, v6  }
0x1f1: {  	v9 =	vld [tilespmem:s31+$0xFFFFFFD0]  }
0x1f2: {  	v3 =	vmul.f32 v4, v3;
	v4 =	vmul.f32 $4.000000000e+00, v7;
	v7 =	vld [tilespmem:s30+$0xFFFFFBD0];
	v6 =	vsub.f32 v8, v6  }
0x1f3: {  	s13 =	simm.s32 $0x10;
	v8 =	vld [tilespmem:s30+$0xFFFFFFD0]  }
0x1f4: {  	v3 =	vmul.f32 v5, v3;
	v5 =	vmov s13;
	v4 =	vmul.f32 v6, v4  }
0x1f5: {  	v5 =	vshll.u32 v5, $0x3  }
0x1f6: {  	v6 =	vmul.f32 $5.000000000e-01, v9;
	v3 =	vadd.f32 v4, v3;
	v4 =	vor.u32 v2, v5  }
0x1f7: {  	v9 =	vor.u32 $0x1, v4  }
0x1f8: {  	v3 =	vmul.f32 v3, v6  }
0x1f9: {  	v5 =	vor.u32 v0, v5  }
0x1fa: {  	v6 =	vor.u32 $0x1, v5;
	[tilespmem:v7+s17+$0x0] =	vst.idx.add.f32.msk $0xffff, v3  }
0x1fb: {  	[tilespmem:v8+s17+$0x0] =	vst.idx.add.f32.msk $0xffff, v3;
	v3 =	vor.u32 $0x2, v5  }
0x1fc: {  	v8 =	vor.u32 $0x2, v4;
	v7 =	vld.idx.msk [tilespmem:v9+s21+$0x0], $0xffff  }
0x1fd: {  	v9 =	vld.idx.msk [tilespmem:v4+s21+$0x0], $0xffff  }
0x1fe: {  	v10 =	vld.idx.msk [tilespmem:v5+s21+$0x0], $0xffff  }
0x1ff: {  	v6 =	vld.idx.msk [tilespmem:v6+s21+$0x0], $0xffff  }
0x200: {  	v3 =	vld.idx.msk [tilespmem:v3+s21+$0x0], $0xffff  }
0x201: {  	v8 =	vld.idx.msk [tilespmem:v8+s21+$0x0], $0xffff;
	_ =	sdelay $0x2  }
0x202: {  	v9 =	vsub.f32 v9, v10;
	v6 =	vsub.f32 v7, v6;
	_ =	sdelay $0x1  }
0x203: {  	v7 =	vmul.f32 v9, v9;
	v6 =	vmul.f32 v6, v6;
	v3 =	vsub.f32 v8, v3;
	_ =	sdelay $0x1  }
0x204: {  	v6 =	vadd.f32 v6, v7;
	v3 =	vmul.f32 v3, v3;
	_ =	sdelay $0x1  }
0x205: {  	v3 =	vadd.f32 v3, v6;
	_ =	sdelay $0x1  }
0x206: {  	v3 =	vadd.f32 $9.999999970e-07, v3;
	_ =	sdelay $0x1  }
0x207: {  	v6 =	vshrl.u32 v3, $0x1;
	v3 =	vmul.f32 $5.000000000e-01, v3  }
0x208: {  	v6 =	vsub.s32 $0x5F3759DF, v6  }
0x209: {  	v7 =	vor.u32 $0x4, v5;
	v8 =	vmul.f32 v6, v3  }
0x20a: {  	v9 =	vor.u32 $0x4, v4  }
0x20b: {  	v8 =	vmul.f32 v6, v8;
	_ =	sdelay $0x1  }
0x20c: {  	v8 =	vsub.f32 $1.500000000e+00, v8  }
0x20d: {  	v7 =	vld.idx.msk [tilespmem:v7+s21+$0x0], $0xffff  }
0x20e: {  	v9 =	vld.idx.msk [tilespmem:v9+s21+$0x0], $0xffff;
	v6 =	vmul.f32 v6, v8;
	_ =	sdelay $0x1  }
0x20f: {  	v8 =	vmul.f32 v6, v3;
	_ =	sdelay $0x1  }
0x210: {  	v7 =	vtrunc.f32 v7;
	v8 =	vmul.f32 v8, v6  }
0x211: {  	v9 =	vtrunc.f32 v9;
	v7 =	vcvt.f32.s32 v7  }
0x212: {  	v9 =	vcvt.f32.s32 v9;
	v8 =	vsub.f32 $1.500000000e+00, v8  }
0x213: {  	v7 =	vshll.u32 v7, $0x4  }
0x214: {  	v7 =	vadd.s32 v9, v7;
	v6 =	vmul.f32 v8, v6;
	_ =	sdelay $0x1  }
0x215: {  	v3 =	vmul.f32 v6, v3;
	_ =	sdelay $0x1  }
0x216: {  	v3 =	vmul.f32 v3, v6  }
0x217: {  	v8 =	vld.idx.msk [tilespmem:v7+s16+$0x0], $0xffff  }
0x218: {  	v3 =	vsub.f32 $1.500000000e+00, v3;
	_ =	sdelay $0x1  }
0x219: {  	v5 =	vor.u32 $0x3, v5;
	v3 =	vmul.f32 v3, v6  }
0x21a: {  	v4 =	vor.u32 $0x3, v4  }
0x21b: {  	v8 =	vmul.f32 v8, v8;
	v6 =	vmul.f32 v3, v3;
	_ =	sdelay $0x1  }
0x21c: {  	v6 =	vmul.f32 v6, v8  }
0x21d: {  	v5 =	vld.idx.msk [tilespmem:v5+s21+$0x0], $0xffff  }
0x21e: {  	v4 =	vld.idx.msk [tilespmem:v4+s21+$0x0], $0xffff;
	v8 =	vmul.f32 v6, v6  }
0x21f: {  	v7 =	vld.idx.msk [tilespmem:v7+s14+$0x0], $0xffff  }
0x220: {  	v6 =	vmul.f32 v8, v6;
	_ =	sdelay $0x1  }
0x221: {  	v5 =	vmul.f32 $3.320731810e+02, v5;
	v8 =	vmul.f32 v6, v6  }
0x222: {  	v9 =	vld [tilespmem:s31+$0xFFFFFFE0]  }
0x223: {  	v4 =	vmul.f32 v4, v5;
	v5 =	vmul.f32 $4.000000000e+00, v7;
	v7 =	vld [tilespmem:s30+$0xFFFFFBE0];
	v6 =	vsub.f32 v8, v6  }
0x224: {  	s12 =	simm.s32 $0x20;
	v8 =	vld [tilespmem:s30+$0xFFFFFFE0]  }
0x225: {  	v3 =	vmul.f32 v3, v4;
	v4 =	vmul.f32 v6, v5;
	v5 =	vmov s12  }
0x226: {  	v5 =	vshll.u32 v5, $0x3  }
0x227: {  	v6 =	vmul.f32 $5.000000000e-01, v9;
	v3 =	vadd.f32 v4, v3;
	v4 =	vor.u32 v2, v5  }
0x228: {  	v9 =	vor.u32 $0x1, v4  }
0x229: {  	v3 =	vmul.f32 v3, v6  }
0x22a: {  	v5 =	vor.u32 v0, v5  }
0x22b: {  	v6 =	vor.u32 $0x1, v5;
	[tilespmem:v7+s17+$0x0] =	vst.idx.add.f32.msk $0xffff, v3  }
0x22c: {  	v7 =	vor.u32 $0x2, v5;
	[tilespmem:v8+s17+$0x0] =	vst.idx.add.f32.msk $0xffff, v3  }
0x22d: {  	v3 =	vor.u32 $0x2, v4;
	v8 =	vld.idx.msk [tilespmem:v9+s21+$0x0], $0xffff  }
0x22e: {  	v9 =	vld.idx.msk [tilespmem:v4+s21+$0x0], $0xffff  }
0x22f: {  	v10 =	vld.idx.msk [tilespmem:v5+s21+$0x0], $0xffff  }
0x230: {  	v6 =	vld.idx.msk [tilespmem:v6+s21+$0x0], $0xffff  }
0x231: {  	v7 =	vld.idx.msk [tilespmem:v7+s21+$0x0], $0xffff  }
0x232: {  	v3 =	vld.idx.msk [tilespmem:v3+s21+$0x0], $0xffff;
	_ =	sdelay $0x2  }
0x233: {  	v6 =	vsub.f32 v8, v6;
	v8 =	vsub.f32 v9, v10;
	_ =	sdelay $0x1  }
0x234: {  	v6 =	vmul.f32 v6, v6;
	v3 =	vsub.f32 v3, v7;
	v7 =	vmul.f32 v8, v8;
	_ =	sdelay $0x1  }
0x235: {  	v6 =	vadd.f32 v6, v7;
	v3 =	vmul.f32 v3, v3;
	_ =	sdelay $0x1  }
0x236: {  	v3 =	vadd.f32 v3, v6;
	_ =	sdelay $0x1  }
0x237: {  	v3 =	vadd.f32 $9.999999970e-07, v3;
	_ =	sdelay $0x1  }
0x238: {  	v6 =	vshrl.u32 v3, $0x1;
	v3 =	vmul.f32 $5.000000000e-01, v3  }
0x239: {  	v6 =	vsub.s32 $0x5F3759DF, v6  }
0x23a: {  	v7 =	vor.u32 $0x4, v5;
	v8 =	vmul.f32 v6, v3  }
0x23b: {  	v9 =	vor.u32 $0x4, v4  }
0x23c: {  	v8 =	vmul.f32 v6, v8;
	_ =	sdelay $0x1  }
0x23d: {  	v8 =	vsub.f32 $1.500000000e+00, v8  }
0x23e: {  	v7 =	vld.idx.msk [tilespmem:v7+s21+$0x0], $0xffff  }
0x23f: {  	v9 =	vld.idx.msk [tilespmem:v9+s21+$0x0], $0xffff;
	v6 =	vmul.f32 v6, v8;
	_ =	sdelay $0x1  }
0x240: {  	v8 =	vmul.f32 v6, v3;
	_ =	sdelay $0x1  }
0x241: {  	v7 =	vtrunc.f32 v7;
	v8 =	vmul.f32 v8, v6  }
0x242: {  	v9 =	vtrunc.f32 v9;
	v7 =	vcvt.f32.s32 v7  }
0x243: {  	v9 =	vcvt.f32.s32 v9;
	v8 =	vsub.f32 $1.500000000e+00, v8  }
0x244: {  	v7 =	vshll.u32 v7, $0x4  }
0x245: {  	v7 =	vadd.s32 v9, v7;
	v6 =	vmul.f32 v8, v6;
	_ =	sdelay $0x1  }
0x246: {  	v3 =	vmul.f32 v6, v3;
	_ =	sdelay $0x1  }
0x247: {  	v3 =	vmul.f32 v3, v6  }
0x248: {  	v8 =	vld.idx.msk [tilespmem:v7+s16+$0x0], $0xffff  }
0x249: {  	v3 =	vsub.f32 $1.500000000e+00, v3;
	_ =	sdelay $0x1  }
0x24a: {  	v5 =	vor.u32 $0x3, v5;
	v3 =	vmul.f32 v3, v6  }
0x24b: {  	v4 =	vor.u32 $0x3, v4  }
0x24c: {  	v8 =	vmul.f32 v8, v8;
	v6 =	vmul.f32 v3, v3;
	_ =	sdelay $0x1  }
0x24d: {  	v6 =	vmul.f32 v6, v8  }
0x24e: {  	v5 =	vld.idx.msk [tilespmem:v5+s21+$0x0], $0xffff  }
0x24f: {  	v4 =	vld.idx.msk [tilespmem:v4+s21+$0x0], $0xffff;
	v8 =	vmul.f32 v6, v6  }
0x250: {  	v7 =	vld.idx.msk [tilespmem:v7+s14+$0x0], $0xffff  }
0x251: {  	v6 =	vmul.f32 v8, v6;
	_ =	sdelay $0x1  }
0x252: {  	v5 =	vmul.f32 $3.320731810e+02, v5;
	v8 =	vmul.f32 v6, v6  }
0x253: {  	v9 =	vld [tilespmem:s31+$0xFFFFFFF0]  }
0x254: {  	v4 =	vmul.f32 v4, v5;
	v5 =	vmul.f32 $4.000000000e+00, v7;
	v7 =	vld [tilespmem:s30+$0xFFFFFBF0];
	v6 =	vsub.f32 v8, v6  }
0x255: {  	v8 =	vld [tilespmem:s30+$0xFFFFFFF0]  }
0x256: {  	s13 =	simm.s32 $0x30;
	v3 =	vmul.f32 v3, v4;
	v4 =	vmul.f32 v6, v5  }
0x257: {  	v5 =	vmov s13  }
0x258: {  	v6 =	vmul.f32 $5.000000000e-01, v9;
	v3 =	vadd.f32 v4, v3;
	v4 =	vshll.u32 v5, $0x3  }
0x259: {  	v5 =	vor.u32 v0, v4  }
0x25a: {  	v4 =	vor.u32 v2, v4;
	v3 =	vmul.f32 v3, v6  }
0x25b: {  	v6 =	vor.u32 $0x1, v5  }
0x25c: {  	[tilespmem:v7+s17+$0x0] =	vst.idx.add.f32.msk $0xffff, v3;
	v7 =	vor.u32 $0x1, v4  }
0x25d: {  	v9 =	vor.u32 $0x2, v5;
	[tilespmem:v8+s17+$0x0] =	vst.idx.add.f32.msk $0xffff, v3  }
0x25e: {  	v3 =	vor.u32 $0x2, v4;
	v8 =	vld.idx.msk [tilespmem:v5+s21+$0x0], $0xffff  }
0x25f: {  	v10 =	vld.idx.msk [tilespmem:v4+s21+$0x0], $0xffff  }
0x260: {  	v6 =	vld.idx.msk [tilespmem:v6+s21+$0x0], $0xffff  }
0x261: {  	v7 =	vld.idx.msk [tilespmem:v7+s21+$0x0], $0xffff  }
0x262: {  	v9 =	vld.idx.msk [tilespmem:v9+s21+$0x0], $0xffff  }
0x263: {  	v3 =	vld.idx.msk [tilespmem:v3+s21+$0x0], $0xffff;
	_ =	sdelay $0x2  }
0x264: {  	v8 =	vsub.f32 v10, v8;
	v6 =	vsub.f32 v7, v6;
	_ =	sdelay $0x1  }
0x265: {  	v7 =	vmul.f32 v8, v8;
	v3 =	vsub.f32 v3, v9;
	v6 =	vmul.f32 v6, v6;
	_ =	sdelay $0x1  }
0x266: {  	v3 =	vmul.f32 v3, v3;
	v6 =	vadd.f32 v6, v7;
	_ =	sdelay $0x1  }
0x267: {  	v3 =	vadd.f32 v3, v6;
	_ =	sdelay $0x1  }
0x268: {  	v3 =	vadd.f32 $9.999999970e-07, v3;
	_ =	sdelay $0x1  }
0x269: {  	v6 =	vshrl.u32 v3, $0x1;
	v3 =	vmul.f32 $5.000000000e-01, v3  }
0x26a: {  	v6 =	vsub.s32 $0x5F3759DF, v6  }
0x26b: {  	v7 =	vor.u32 $0x4, v5;
	v8 =	vmul.f32 v6, v3  }
0x26c: {  	v9 =	vor.u32 $0x4, v4  }
0x26d: {  	v8 =	vmul.f32 v6, v8;
	_ =	sdelay $0x1  }
0x26e: {  	v8 =	vsub.f32 $1.500000000e+00, v8  }
0x26f: {  	v7 =	vld.idx.msk [tilespmem:v7+s21+$0x0], $0xffff  }
0x270: {  	v9 =	vld.idx.msk [tilespmem:v9+s21+$0x0], $0xffff;
	v6 =	vmul.f32 v6, v8;
	_ =	sdelay $0x1  }
0x271: {  	v8 =	vmul.f32 v6, v3;
	_ =	sdelay $0x1  }
0x272: {  	v7 =	vtrunc.f32 v7;
	v8 =	vmul.f32 v8, v6  }
0x273: {  	v9 =	vtrunc.f32 v9;
	v7 =	vcvt.f32.s32 v7  }
0x274: {  	v9 =	vcvt.f32.s32 v9;
	v8 =	vsub.f32 $1.500000000e+00, v8  }
0x275: {  	v7 =	vshll.u32 v7, $0x4  }
0x276: {  	v10 =	vadd.s32 v9, v7;
	v7 =	vmul.f32 v8, v6;
	_ =	sdelay $0x1  }
0x277: {  	v5 =	vor.u32 $0x3, v5;
	v3 =	vmul.f32 v7, v3;
	_ =	sdelay $0x1  }
0x278: {  	v4 =	vor.u32 $0x3, v4;
	v3 =	vmul.f32 v3, v7  }
0x279: {  	v8 =	vld.idx.msk [tilespmem:v10+s16+$0x0], $0xffff  }
0x27a: {  	v3 =	vsub.f32 $1.500000000e+00, v3  }
0x27b: {  	v11 =	vld.idx.msk [tilespmem:v5+s21+$0x0], $0xffff  }
0x27c: {  	v5 =	vld [tilespmem:s31+$0x0];
	v9 =	vmul.f32 v3, v7  }
0x27d: {  	v6 =	vld.idx.msk [tilespmem:v4+s21+$0x0], $0xffff  }
0x27e: {  	v4 =	vld [tilespmem:s30+$0x0];
	v13 =	vmul.f32 v8, v8;
	v12 =	vmul.f32 v9, v9  }
0x27f: {  	v8 =	vld.idx.msk [tilespmem:v10+s14+$0x0], $0xffff  }
0x280: {  	s28 =	smov.u32 s30;
	s29 =	smov.u32 s31;
	s1 =	simm.s32 $0x40;
	v3 =	vld [tilespmem:s30+$0xFFFFFC00];
	v7 =	vmul.f32 $3.320731810e+02, v11;
	v10 =	vmul.f32 v12, v13  }
.LBB2_8:
0x281: {  	p0 =	sne.s32 s1, $0x3C0;
	s28 =	sadd.s32 $0x40, s28;
	s29 =	sadd.s32 $0x40, s29  }
0x282: {  	s12 =	smov.u32 s1;
	s1 =	sadd.s32 $0x40, s1;
	v11 =	vmul.f32 v10, v10;
	_ =	sdelay $0x1  }
0x283: {  	v10 =	vmul.f32 v11, v10;
	_ =	sdelay $0x1  }
0x284: {  	v11 =	vmul.f32 v10, v10  }
0x285: {  	v6 =	vmul.f32 v6, v7  }
0x286: {  	v7 =	vmul.f32 $4.000000000e+00, v8;
	v8 =	vsub.f32 v11, v10  }
0x287: {  	v6 =	vmul.f32 v9, v6  }
0x288: {  	v7 =	vmul.f32 v8, v7  }
0x289: {  	v8 =	vmov s12  }
0x28a: {  	v5 =	vmul.f32 $5.000000000e-01, v5;
	v8 =	vshll.u32 v8, $0x3;
	v6 =	vadd.f32 v7, v6  }
0x28b: {  	v7 =	vor.u32 v0, v8;
	v8 =	vor.u32 v2, v8  }
0x28c: {  	v9 =	vor.u32 $0x1, v7;
	v10 =	vor.u32 $0x1, v8;
	v5 =	vmul.f32 v6, v5  }
0x28d: {  	v11 =	vor.u32 $0x4, v7;
	v12 =	vor.u32 $0x4, v8;
	v6 =	vor.u32 $0x2, v8  }
0x28e: {  	v13 =	vor.u32 $0x3, v7;
	v14 =	vor.u32 $0x3, v8;
	[tilespmem:v3+s17+$0x0] =	vst.idx.add.f32.msk $0xffff, v5  }
0x28f: {  	[tilespmem:v4+s17+$0x0] =	vst.idx.add.f32.msk $0xffff, v5  }
0x290: {  	v4 =	vor.u32 $0x2, v7;
	v3 =	vld.idx.msk [tilespmem:v7+s21+$0x0], $0xffff  }
0x291: {  	v5 =	vld.idx.msk [tilespmem:v8+s21+$0x0], $0xffff  }
0x292: {  	v7 =	vld.idx.msk [tilespmem:v9+s21+$0x0], $0xffff  }
0x293: {  	v8 =	vld.idx.msk [tilespmem:v10+s21+$0x0], $0xffff  }
0x294: {  	v6 =	vld.idx.msk [tilespmem:v6+s21+$0x0], $0xffff  }
0x295: {  	v4 =	vld.idx.msk [tilespmem:v4+s21+$0x0], $0xffff;
	_ =	sdelay $0x1  }
0x296: {  	v3 =	vsub.f32 v5, v3;
	_ =	sdelay $0x1  }
0x297: {  	v5 =	vsub.f32 v8, v7;
	_ =	sdelay $0x1  }
0x298: {  	v3 =	vmul.f32 v3, v3;
	v4 =	vsub.f32 v6, v4;
	v5 =	vmul.f32 v5, v5;
	_ =	sdelay $0x1  }
0x299: {  	v3 =	vadd.f32 v5, v3;
	v4 =	vmul.f32 v4, v4;
	_ =	sdelay $0x1  }
0x29a: {  	v3 =	vadd.f32 v4, v3;
	_ =	sdelay $0x1  }
0x29b: {  	v3 =	vadd.f32 $9.999999970e-07, v3;
	_ =	sdelay $0x1  }
0x29c: {  	v4 =	vshrl.u32 v3, $0x1;
	v3 =	vmul.f32 $5.000000000e-01, v3  }
0x29d: {  	v4 =	vsub.s32 $0x5F3759DF, v4  }
0x29e: {  	v5 =	vmul.f32 v4, v3;
	_ =	sdelay $0x1  }
0x29f: {  	v5 =	vmul.f32 v4, v5  }
0x2a0: {  	v6 =	vld.idx.msk [tilespmem:v11+s21+$0x0], $0xffff  }
0x2a1: {  	v5 =	vsub.f32 $1.500000000e+00, v5;
	v7 =	vld.idx.msk [tilespmem:v12+s21+$0x0], $0xffff;
	_ =	sdelay $0x1  }
0x2a2: {  	v4 =	vmul.f32 v4, v5;
	_ =	sdelay $0x1  }
0x2a3: {  	v5 =	vmul.f32 v4, v3  }
0x2a4: {  	v6 =	vtrunc.f32 v6  }
0x2a5: {  	v6 =	vcvt.f32.s32 v6;
	v5 =	vmul.f32 v5, v4  }
0x2a6: {  	v7 =	vtrunc.f32 v7  }
0x2a7: {  	v7 =	vcvt.f32.s32 v7;
	v5 =	vsub.f32 $1.500000000e+00, v5;
	v6 =	vshll.u32 v6, $0x4;
	_ =	sdelay $0x1  }
0x2a8: {  	v4 =	vmul.f32 v5, v4;
	v5 =	vadd.s32 v7, v6;
	_ =	sdelay $0x1  }
0x2a9: {  	v3 =	vmul.f32 v4, v3;
	_ =	sdelay $0x1  }
0x2aa: {  	v3 =	vmul.f32 v3, v4  }
0x2ab: {  	v6 =	vld.idx.msk [tilespmem:v5+s16+$0x0], $0xffff  }
0x2ac: {  	v3 =	vsub.f32 $1.500000000e+00, v3;
	_ =	sdelay $0x1  }
0x2ad: {  	v3 =	vmul.f32 v3, v4;
	_ =	sdelay $0x1  }
0x2ae: {  	v4 =	vmul.f32 v3, v3  }
0x2af: {  	v6 =	vmul.f32 v6, v6  }
0x2b0: {  	v7 =	vld.idx.msk [tilespmem:v13+s21+$0x0], $0xffff  }
0x2b1: {  	v4 =	vmul.f32 v4, v6  }
0x2b2: {  	v6 =	vld.idx.msk [tilespmem:v14+s21+$0x0], $0xffff  }
0x2b3: {  	v8 =	vmul.f32 v4, v4;
	v5 =	vld.idx.msk [tilespmem:v5+s14+$0x0], $0xffff;
	_ =	sdelay $0x1  }
0x2b4: {  	v4 =	vmul.f32 v8, v4  }
0x2b5: {  	v7 =	vmul.f32 $3.320731810e+02, v7  }
0x2b6: {  	v8 =	vmul.f32 v4, v4  }
0x2b7: {  	v6 =	vmul.f32 v6, v7;
	v7 =	vld [tilespmem:s29+$0xFFFFFFD0]  }
0x2b8: {  	v5 =	vmul.f32 $4.000000000e+00, v5;
	v4 =	vsub.f32 v8, v4;
	v8 =	vld [tilespmem:s28+$0xFFFFFBD0]  }
0x2b9: {  	s13 =	sadd.s32 $0x10, s12;
	v3 =	vmul.f32 v3, v6;
	v6 =	vld [tilespmem:s28+$0xFFFFFFD0]  }
0x2ba: {  	v4 =	vmul.f32 v4, v5;
	v5 =	vmov s13  }
0x2bb: {  	v5 =	vshll.u32 v5, $0x3  }
0x2bc: {  	v3 =	vadd.f32 v4, v3;
	v4 =	vor.u32 v2, v5;
	v7 =	vmul.f32 $5.000000000e-01, v7  }
0x2bd: {  	v9 =	vor.u32 $0x1, v4  }
0x2be: {  	v3 =	vmul.f32 v3, v7  }
0x2bf: {  	v5 =	vor.u32 v0, v5  }
0x2c0: {  	v7 =	vor.u32 $0x1, v5;
	[tilespmem:v8+s17+$0x0] =	vst.idx.add.f32.msk $0xffff, v3  }
0x2c1: {  	[tilespmem:v6+s17+$0x0] =	vst.idx.add.f32.msk $0xffff, v3;
	v3 =	vor.u32 $0x2, v5  }
0x2c2: {  	v8 =	vor.u32 $0x2, v4;
	v6 =	vld.idx.msk [tilespmem:v9+s21+$0x0], $0xffff  }
0x2c3: {  	v9 =	vld.idx.msk [tilespmem:v4+s21+$0x0], $0xffff  }
0x2c4: {  	v10 =	vld.idx.msk [tilespmem:v5+s21+$0x0], $0xffff  }
0x2c5: {  	v7 =	vld.idx.msk [tilespmem:v7+s21+$0x0], $0xffff  }
0x2c6: {  	v3 =	vld.idx.msk [tilespmem:v3+s21+$0x0], $0xffff  }
0x2c7: {  	v8 =	vld.idx.msk [tilespmem:v8+s21+$0x0], $0xffff;
	_ =	sdelay $0x2  }
0x2c8: {  	v9 =	vsub.f32 v9, v10  }
0x2c9: {  	v6 =	vsub.f32 v6, v7  }
0x2ca: {  	v7 =	vmul.f32 v9, v9  }
0x2cb: {  	v3 =	vsub.f32 v8, v3;
	v6 =	vmul.f32 v6, v6;
	_ =	sdelay $0x1  }
0x2cc: {  	v6 =	vadd.f32 v6, v7;
	v3 =	vmul.f32 v3, v3;
	_ =	sdelay $0x1  }
0x2cd: {  	v3 =	vadd.f32 v3, v6;
	_ =	sdelay $0x1  }
0x2ce: {  	v3 =	vadd.f32 $9.999999970e-07, v3;
	_ =	sdelay $0x1  }
0x2cf: {  	v6 =	vor.u32 $0x4, v5;
	v7 =	vshrl.u32 v3, $0x1;
	v3 =	vmul.f32 $5.000000000e-01, v3  }
0x2d0: {  	v8 =	vor.u32 $0x4, v4;
	v7 =	vsub.s32 $0x5F3759DF, v7  }
0x2d1: {  	v9 =	vmul.f32 v7, v3;
	_ =	sdelay $0x1  }
0x2d2: {  	v9 =	vmul.f32 v7, v9  }
0x2d3: {  	v6 =	vld.idx.msk [tilespmem:v6+s21+$0x0], $0xffff  }
0x2d4: {  	v9 =	vsub.f32 $1.500000000e+00, v9;
	v8 =	vld.idx.msk [tilespmem:v8+s21+$0x0], $0xffff;
	_ =	sdelay $0x1  }
0x2d5: {  	v7 =	vmul.f32 v7, v9;
	_ =	sdelay $0x1  }
0x2d6: {  	v9 =	vmul.f32 v7, v3  }
0x2d7: {  	v6 =	vtrunc.f32 v6  }
0x2d8: {  	v6 =	vcvt.f32.s32 v6;
	v9 =	vmul.f32 v9, v7  }
0x2d9: {  	v8 =	vtrunc.f32 v8  }
0x2da: {  	v8 =	vcvt.f32.s32 v8;
	v9 =	vsub.f32 $1.500000000e+00, v9;
	v6 =	vshll.u32 v6, $0x4;
	_ =	sdelay $0x1  }
0x2db: {  	v6 =	vadd.s32 v8, v6;
	v7 =	vmul.f32 v9, v7;
	_ =	sdelay $0x1  }
0x2dc: {  	v3 =	vmul.f32 v7, v3;
	_ =	sdelay $0x1  }
0x2dd: {  	v3 =	vmul.f32 v3, v7  }
0x2de: {  	v8 =	vld.idx.msk [tilespmem:v6+s16+$0x0], $0xffff  }
0x2df: {  	v3 =	vsub.f32 $1.500000000e+00, v3  }
0x2e0: {  	v5 =	vor.u32 $0x3, v5  }
0x2e1: {  	v3 =	vmul.f32 v3, v7  }
0x2e2: {  	v4 =	vor.u32 $0x3, v4  }
0x2e3: {  	v7 =	vmul.f32 v3, v3  }
0x2e4: {  	v8 =	vmul.f32 v8, v8  }
0x2e5: {  	v5 =	vld.idx.msk [tilespmem:v5+s21+$0x0], $0xffff  }
0x2e6: {  	v7 =	vmul.f32 v7, v8  }
0x2e7: {  	v4 =	vld.idx.msk [tilespmem:v4+s21+$0x0], $0xffff  }
0x2e8: {  	v8 =	vmul.f32 v7, v7;
	v6 =	vld.idx.msk [tilespmem:v6+s14+$0x0], $0xffff;
	_ =	sdelay $0x1  }
0x2e9: {  	v7 =	vmul.f32 v8, v7  }
0x2ea: {  	v5 =	vmul.f32 $3.320731810e+02, v5  }
0x2eb: {  	v8 =	vmul.f32 v7, v7  }
0x2ec: {  	v4 =	vmul.f32 v4, v5;
	v5 =	vld [tilespmem:s29+$0xFFFFFFE0]  }
0x2ed: {  	v6 =	vmul.f32 $4.000000000e+00, v6;
	v7 =	vsub.f32 v8, v7;
	v8 =	vld [tilespmem:s28+$0xFFFFFBE0]  }
0x2ee: {  	s13 =	sadd.s32 $0x20, s12;
	v3 =	vmul.f32 v3, v4;
	v4 =	vld [tilespmem:s28+$0xFFFFFFE0]  }
0x2ef: {  	v6 =	vmul.f32 v7, v6;
	v7 =	vmov s13  }
0x2f0: {  	v7 =	vshll.u32 v7, $0x3  }
0x2f1: {  	v3 =	vadd.f32 v6, v3;
	v6 =	vor.u32 v2, v7;
	v5 =	vmul.f32 $5.000000000e-01, v5  }
0x2f2: {  	v7 =	vor.u32 v0, v7;
	v9 =	vor.u32 $0x1, v6  }
0x2f3: {  	v3 =	vmul.f32 v3, v5;
	v5 =	vor.u32 $0x1, v7;
	_ =	sdelay $0x1  }
0x2f4: {  	[tilespmem:v8+s17+$0x0] =	vst.idx.add.f32.msk $0xffff, v3  }
0x2f5: {  	[tilespmem:v4+s17+$0x0] =	vst.idx.add.f32.msk $0xffff, v3;
	v3 =	vor.u32 $0x2, v6  }
0x2f6: {  	v4 =	vor.u32 $0x2, v7;
	v8 =	vld.idx.msk [tilespmem:v9+s21+$0x0], $0xffff  }
0x2f7: {  	v5 =	vld.idx.msk [tilespmem:v5+s21+$0x0], $0xffff  }
0x2f8: {  	v9 =	vld.idx.msk [tilespmem:v6+s21+$0x0], $0xffff  }
0x2f9: {  	v10 =	vld.idx.msk [tilespmem:v7+s21+$0x0], $0xffff  }
0x2fa: {  	v3 =	vld.idx.msk [tilespmem:v3+s21+$0x0], $0xffff  }
0x2fb: {  	v4 =	vld.idx.msk [tilespmem:v4+s21+$0x0], $0xffff;
	_ =	sdelay $0x1  }
0x2fc: {  	v5 =	vsub.f32 v8, v5;
	_ =	sdelay $0x1  }
0x2fd: {  	v8 =	vsub.f32 v9, v10  }
0x2fe: {  	v5 =	vmul.f32 v5, v5  }
0x2ff: {  	v3 =	vsub.f32 v3, v4;
	v4 =	vmul.f32 v8, v8;
	_ =	sdelay $0x1  }
0x300: {  	v4 =	vadd.f32 v5, v4;
	v3 =	vmul.f32 v3, v3;
	_ =	sdelay $0x1  }
0x301: {  	v3 =	vadd.f32 v3, v4;
	_ =	sdelay $0x1  }
0x302: {  	v3 =	vadd.f32 $9.999999970e-07, v3;
	_ =	sdelay $0x1  }
0x303: {  	v4 =	vor.u32 $0x4, v7;
	v5 =	vshrl.u32 v3, $0x1;
	v3 =	vmul.f32 $5.000000000e-01, v3  }
0x304: {  	v8 =	vor.u32 $0x4, v6;
	v5 =	vsub.s32 $0x5F3759DF, v5  }
0x305: {  	v9 =	vmul.f32 v5, v3;
	_ =	sdelay $0x1  }
0x306: {  	v9 =	vmul.f32 v5, v9  }
0x307: {  	v4 =	vld.idx.msk [tilespmem:v4+s21+$0x0], $0xffff  }
0x308: {  	v9 =	vsub.f32 $1.500000000e+00, v9;
	v8 =	vld.idx.msk [tilespmem:v8+s21+$0x0], $0xffff;
	_ =	sdelay $0x1  }
0x309: {  	v5 =	vmul.f32 v5, v9;
	_ =	sdelay $0x1  }
0x30a: {  	v9 =	vmul.f32 v5, v3  }
0x30b: {  	v4 =	vtrunc.f32 v4  }
0x30c: {  	v4 =	vcvt.f32.s32 v4;
	v9 =	vmul.f32 v9, v5  }
0x30d: {  	v8 =	vtrunc.f32 v8  }
0x30e: {  	v8 =	vcvt.f32.s32 v8;
	v9 =	vsub.f32 $1.500000000e+00, v9;
	v4 =	vshll.u32 v4, $0x4;
	_ =	sdelay $0x1  }
0x30f: {  	v4 =	vadd.s32 v8, v4;
	v5 =	vmul.f32 v9, v5;
	_ =	sdelay $0x1  }
0x310: {  	v3 =	vmul.f32 v5, v3;
	_ =	sdelay $0x1  }
0x311: {  	v3 =	vmul.f32 v3, v5  }
0x312: {  	v8 =	vld.idx.msk [tilespmem:v4+s16+$0x0], $0xffff  }
0x313: {  	v3 =	vsub.f32 $1.500000000e+00, v3;
	v4 =	vld.idx.msk [tilespmem:v4+s14+$0x0], $0xffff  }
0x314: {  	v7 =	vor.u32 $0x3, v7  }
0x315: {  	v3 =	vmul.f32 v3, v5  }
0x316: {  	v5 =	vor.u32 $0x3, v6  }
0x317: {  	v6 =	vmul.f32 v3, v3  }
0x318: {  	v8 =	vmul.f32 v8, v8  }
0x319: {  	v7 =	vld.idx.msk [tilespmem:v7+s21+$0x0], $0xffff  }
0x31a: {  	v6 =	vmul.f32 v6, v8  }
0x31b: {  	v5 =	vld.idx.msk [tilespmem:v5+s21+$0x0], $0xffff  }
0x31c: {  	v8 =	vmul.f32 v6, v6;
	_ =	sdelay $0x1  }
0x31d: {  	v6 =	vmul.f32 v8, v6  }
0x31e: {  	v7 =	vmul.f32 $3.320731810e+02, v7  }
0x31f: {  	v8 =	vmul.f32 v6, v6  }
0x320: {  	v5 =	vmul.f32 v5, v7;
	v7 =	vld [tilespmem:s29+$0xFFFFFFF0]  }
0x321: {  	v4 =	vmul.f32 $4.000000000e+00, v4;
	v6 =	vsub.f32 v8, v6;
	v8 =	vld [tilespmem:s28+$0xFFFFFBF0]  }
0x322: {  	v3 =	vmul.f32 v3, v5;
	v5 =	vld [tilespmem:s28+$0xFFFFFFF0]  }
0x323: {  	s12 =	sadd.s32 $0x30, s12;
	v4 =	vmul.f32 v6, v4  }
0x324: {  	v6 =	vmov s12  }
0x325: {  	v3 =	vadd.f32 v4, v3;
	v4 =	vshll.u32 v6, $0x3;
	v7 =	vmul.f32 $5.000000000e-01, v7  }
0x326: {  	v6 =	vor.u32 v0, v4  }
0x327: {  	v3 =	vmul.f32 v3, v7;
	v7 =	vor.u32 $0x1, v6  }
0x328: {  	v4 =	vor.u32 v2, v4  }
0x329: {  	[tilespmem:v8+s17+$0x0] =	vst.idx.add.f32.msk $0xffff, v3;
	v8 =	vor.u32 $0x2, v6  }
0x32a: {  	[tilespmem:v5+s17+$0x0] =	vst.idx.add.f32.msk $0xffff, v3;
	v3 =	vor.u32 $0x1, v4;
	v5 =	vor.u32 $0x2, v4  }
0x32b: {  	v9 =	vld.idx.msk [tilespmem:v6+s21+$0x0], $0xffff  }
0x32c: {  	v10 =	vor.u32 $0x4, v6;
	v7 =	vld.idx.msk [tilespmem:v7+s21+$0x0], $0xffff  }
0x32d: {  	v12 =	vor.u32 $0x4, v4;
	v11 =	vld.idx.msk [tilespmem:v4+s21+$0x0], $0xffff  }
0x32e: {  	v6 =	vor.u32 $0x3, v6;
	v8 =	vld.idx.msk [tilespmem:v8+s21+$0x0], $0xffff  }
0x32f: {  	v4 =	vor.u32 $0x3, v4;
	v5 =	vld.idx.msk [tilespmem:v5+s21+$0x0], $0xffff  }
0x330: {  	v3 =	vld.idx.msk [tilespmem:v3+s21+$0x0], $0xffff  }
0x331: {  	v10 =	vld.idx.msk [tilespmem:v10+s21+$0x0], $0xffff  }
0x332: {  	v12 =	vld.idx.msk [tilespmem:v12+s21+$0x0], $0xffff  }
0x333: {  	v9 =	vsub.f32 v11, v9;
	v13 =	vld.idx.msk [tilespmem:v6+s21+$0x0], $0xffff  }
0x334: {  	v6 =	vld.idx.msk [tilespmem:v4+s21+$0x0], $0xffff  }
0x335: {  	v8 =	vsub.f32 v5, v8;
	v9 =	vmul.f32 v9, v9;
	v5 =	vld [tilespmem:s29+$0x0]  }
0x336: {  	v7 =	vsub.f32 v3, v7;
	v3 =	vld [tilespmem:s28+$0xFFFFFC00]  }
0x337: {  	v10 =	vtrunc.f32 v10;
	v4 =	vld [tilespmem:s28+$0x0]  }
0x338: {  	v10 =	vcvt.f32.s32 v10;
	v7 =	vmul.f32 v7, v7  }
0x339: {  	v8 =	vmul.f32 v8, v8;
	v11 =	vtrunc.f32 v12  }
0x33a: {  	v11 =	vcvt.f32.s32 v11;
	v9 =	vadd.f32 v7, v9;
	v10 =	vshll.u32 v10, $0x4  }
0x33b: {  	v7 =	vmul.f32 $3.320731810e+02, v13  }
0x33c: {  	v8 =	vadd.f32 v8, v9;
	v9 =	vadd.s32 v11, v10;
	_ =	sdelay $0x1  }
0x33d: {  	v8 =	vadd.f32 $9.999999970e-07, v8;
	_ =	sdelay $0x1  }
0x33e: {  	v10 =	vshrl.u32 v8, $0x1;
	v11 =	vmul.f32 $5.000000000e-01, v8  }
0x33f: {  	v10 =	vsub.s32 $0x5F3759DF, v10;
	v12 =	vld.idx.msk [tilespmem:v9+s16+$0x0], $0xffff  }
0x340: {  	v13 =	vmul.f32 v10, v11;
	v8 =	vld.idx.msk [tilespmem:v9+s14+$0x0], $0xffff;
	_ =	sdelay $0x1  }
0x341: {  	v9 =	vmul.f32 v10, v13;
	_ =	sdelay $0x1  }
0x342: {  	v9 =	vsub.f32 $1.500000000e+00, v9;
	_ =	sdelay $0x1  }
0x343: {  	v9 =	vmul.f32 v10, v9;
	_ =	sdelay $0x1  }
0x344: {  	v10 =	vmul.f32 v9, v11;
	_ =	sdelay $0x1  }
0x345: {  	v10 =	vmul.f32 v10, v9;
	_ =	sdelay $0x1  }
0x346: {  	v10 =	vsub.f32 $1.500000000e+00, v10;
	_ =	sdelay $0x1  }
0x347: {  	v9 =	vmul.f32 v10, v9;
	_ =	sdelay $0x1  }
0x348: {  	v10 =	vmul.f32 v9, v11;
	_ =	sdelay $0x1  }
0x349: {  	v10 =	vmul.f32 v10, v9;
	_ =	sdelay $0x1  }
0x34a: {  	v10 =	vsub.f32 $1.500000000e+00, v10;
	_ =	sdelay $0x1  }
.Ltmp2:
0x34b: {  	v9 =	vmul.f32 v10, v9;
	(pc) =	sbr.rel @p0 .LBB2_8-.Ltmp2, $3  }
0x34c: {  	_ = 	snop  }
0x34d: {  	v11 =	vmul.f32 v12, v12;
	v10 =	vmul.f32 v9, v9;
	_ =	sdelay $0x1  }
0x34e: {  	v10 =	vmul.f32 v10, v11  }
0x34f: {  	_ = 	snop  }
0x350: {  	v11 =	vmul.f32 v10, v10;
	_ =	sdelay $0x1  }
0x351: {  	v10 =	vmul.f32 v11, v10;
	_ =	sdelay $0x1  }
0x352: {  	v11 =	vmul.f32 v10, v10;
	_ =	sdelay $0x1  }
0x353: {  	v6 =	vmul.f32 v6, v7;
	v62 =	vmul.f32 $4.000000000e+00, v8;
	v63 =	vsub.f32 v11, v10;
	_ =	sdelay $0x1  }
0x354: {  	v6 =	vmul.f32 v9, v6;
	v7 =	vmul.f32 v63, v62  }
0x355: {  	s0 =	sadd.s32 $0x1, s0  }
0x356: {  	v5 =	vmul.f32 $5.000000000e-01, v5;
	p0 =	sne.s32 s0, $0x5;
	v6 =	vadd.f32 v7, v6  }
.Ltmp3:
0x357: {  	_ = 	snop;
	(pc) =	sbr.rel @p0 .LBB2_5-.Ltmp3, $3  }
0x358: {  	v5 =	vmul.f32 v6, v5;
	_ =	sdelay $0x1  }
0x359: {  	s2 =	sadd.s32 $0x1000, s2;
	[tilespmem:v3+s17+$0x0] =	vst.idx.add.f32.msk $0xffff, v5  }
0x35a: {  	s3 =	sadd.s32 $0x800, s3;
	s30 =	sadd.s32 $0x1000, s30;
	s31 =	sadd.s32 $0x800, s31;
	[tilespmem:v4+s17+$0x0] =	vst.idx.add.f32.msk $0xffff, v5  }
0x35b: {  	s26 =	sadd.s32 $0x1, s26  }
0x35c: {  	p0 =	sne.s32 s26, $0x5  }
.Ltmp4:
0x35d: {  	_ = 	snop;
	(pc) =	sbr.rel @p0 .LBB2_4-.Ltmp4, $1  }
0x35e: {  	_ =	sdelay $0x3  }
0x35f: {  	s0 =	sadd.s32 $0x0, s4  }
0x360: {  	[tilespmem:s23], [sflag:$0x2] =	stream.linear.gather [hbm4b:s0+s6], $0x800, $0x38;
	[tilespmem:$0x1D680] =	vst v63  }
0x361: {  	_ =	swait.ge [sflag:s15], $0x800  }
0x362: {  	[sflag:s15] =	ssyncset.done $0x0  }
0x363: {  	s31 =	simm.s32 $0xF800;
	[sflag:s15] =	ssyncadd.s32 $0xFFFFF800  }
0x364: {  	[spmem:s5] =	stream.indirect.scatter.add.f32 [tilespmem:s31], [sflag:$0x2], $0x1, s23, s19, $0xb8;
	[tilespmem:$0x1D680] =	vst v63  }
0x365: {  	s1 =	simm.s32 $0x100;
	_ =	swait.ge [sflag:s15], $0x800  }
0x366: {  	s2 =	simm.s32 $0x200;
	s0 =	simm.s32 $0x10000;
	[sflag:s15] =	ssyncset.done $0x0  }
.LBB2_12:
0x367: {  	s3 =	sadd.s32 s1, s4  }
0x368: {  	[sflag:s15] =	ssyncadd.s32 $0xFFFFF800;
	s1 =	smov.u32 s2;
	s12 =	sadd.s32 $0x100, s2  }
0x369: {  	[tilespmem:s23], [sflag:$0x2] =	stream.linear.gather [hbm4b:s3+s6], $0x800, $0x38;
	[tilespmem:$0x1D680] =	vst v63  }
0x36a: {  	p0 =	sne.s32 s2, $0x1800;
	_ =	swait.ge [sflag:s15], $0x800  }
.Ltmp5:
0x36b: {  	[sflag:s15] =	ssyncset.done $0x0;
	(pc) =	sbr.rel @p0 .LBB2_12-.Ltmp5, $4  }
0x36c: {  	[sflag:s15] =	ssyncadd.s32 $0xFFFFF800  }
0x36d: {  	[spmem:s5] =	stream.indirect.scatter.add.f32 [tilespmem:s0], [sflag:$0x2], $0x1, s23, s19, $0xb8;
	[tilespmem:$0x1D680] =	vst v63  }
0x36e: {  	_ =	swait.ge [sflag:s15], $0x800  }
0x36f: {  	s2 =	smov.u32 s12;
	s0 =	sadd.s32 $0x800, s0;
	[sflag:s15] =	ssyncset.done $0x0  }
0x370: {  	s1 =	sadd.s32 s1, s4;
	[sflag:s15] =	ssyncadd.s32 $0xFFFFF800  }
0x371: {  	[tilespmem:s23], [sflag:$0x2] =	stream.linear.gather [hbm4b:s1+s6], $0x800, $0x38;
	[tilespmem:$0x1D680] =	vst v63  }
0x372: {  	_ =	swait.ge [sflag:s15], $0x800  }
0x373: {  	[sflag:s15] =	ssyncset.done $0x0  }
0x374: {  	[sflag:s15] =	ssyncadd.s32 $0xFFFFF800  }
0x375: {  	[spmem:s5] =	stream.indirect.scatter.add.f32 [tilespmem:s0], [sflag:$0x2], $0x1, s23, s19, $0xb8;
	[tilespmem:$0x1D680] =	vst v63  }
0x376: {  	_ =	swait.ge [sflag:s15], $0x800  }
0x377: {  	[sflag:s15] =	ssyncset.done $0x0  }
0x378: {  	s29 =	stileid.u32;
	[sflag:s15] =	ssyncadd.s32 $0xFFFFF800  }
0x379: {  	s0 =	sshll.u32 s29, $0x6;
	[bflag:$0x0] =	sbarrier.arrive $0xFFFF  }
0x37a: {  	s30 =	sshrl.u32 s10, $0x3;
	s0 =	sor.u32 $0x1C02, s0;
	s2 =	rddreg [dreg:$0x6]  }
0x37b: {  	[hbm:s2], [sflag:s0] =	dma.local [spmem:s30], $0x190  }
0x37c: {  	_ =	swait.ge [sflag:s15], $0x190  }
0x37d: {  	s24 =	sadd.s32 $0x1, s24;
	s31 =	rddreg [dreg:$0x7]  }
0x37e: {  	p0 =	sne.s32 s24, s31  }
.Ltmp6:
0x37f: {  	_ = 	snop;
	(pc) =	sbr.rel @p0 .LBB2_1-.Ltmp6, $3  }
0x380: {  	_ =	sdelay $0x1  }
0x381: {  	[sflag:s15] =	ssyncset.done $0x0  }
0x382: {  	[sflag:s15] =	ssyncadd.s32 $0xFFFFFE70  }
0x383: {  	_ =	sfence.sel $0x180000  }
0x384: {  	[bflag:$0x0] =	sbarrier.arrive $0xFFFF  }
0x385: {  	_ =	strace $0x90000047  }
0x386: {  	s0 =	stileid.u32;
	[bflag:$0x2] =	sbarrier.arrive $0xFFFF  }
0x387: {  	p0 =	sne.s32 s0, $0x0;
	s0 =	rddreg [dreg:$0x5]  }
0x388: {  	s0 =	sadd.s32 @!p0 $0x100000, s0  }
0x389: {  	[sflag:s0] =	ssyncadd.tile.s32 @!p0 $0x1;
	_ =	shalt  }
.Lfunc_end2:
_tile_overlayer_lowered:
.L_overlay_start_2:
0x38a: {  	(tag) =	ssettag $0x2  }
0x38b: {  	s0 =	rddreg [dreg:$0x0];
	s2 =	stileid.u32  }
0x38c: {  	s1 =	rddreg [dreg:$0x1];
	p0 =	sne.s32 s2, $0x0  }
0x38d: {  	s3 =	rddreg [dreg:$0x2];
	[bflag:$0x3] =	sbarrier.arrive $0xFFFF;
	s2 =	simm.s32 @!p0 $0x1C02  }
0x38e: {  	[timem:s3], [sflag:s2] =	dma.local @!p0 [hbm:s0], s1  }
0x38f: {  	s0 =	simm.s32 @!p0 $0x2  }
0x390: {  	_ =	swait.ge @!p0 [sflag:s0], s1  }
0x391: {  	s1 =	ssub.s32 @!p0 $0x0, s1;
	[sflag:s0] =	ssyncset.done @!p0 $0x0  }
0x392: {  	[sflag:s0] =	ssyncadd.s32 @!p0 s1  }
0x393: {  	[bflag:$0x3] =	sbarrier.arrive $0xFFFF  }
0x394: {  	_ =	shalt  }

</sc_bundles>
